<compile_context>
chip_gen: v7x
topology: tpu7x:2x2x1
jax: 0.10.2.dev20260603
libtpu: 0.0.44.dev20260713+nightly
codegen_flags: <defaults>
</compile_context>

<pallas_src>
import jax
import jax.numpy as jnp
from jax.experimental import pallas as pl
from jax.experimental.pallas import tpu as pltpu
from jax.experimental.pallas import tpu_sc as plsc

_NC = 2
_NS = 16
_NW = _NC * _NS
_CHUNK = 24
_NBUF = 8


def _sc_gather(x_3d, weight):
    _, chunks, _ = x_3d.shape
    n = x_3d.size
    _, dim = weight.shape
    toks_w = n // _NW

    mesh = plsc.VectorSubcoreMesh(core_axis_name="c", subcore_axis_name="s")

    @pl.kernel(
        out_type=jax.ShapeDtypeStruct((n, dim), weight.dtype),
        mesh=mesh,
        scratch_types=(
            [pltpu.VMEM((chunks, _CHUNK), jnp.int32)]
            + [pltpu.VMEM((_CHUNK, dim), jnp.float32) for _ in range(_NBUF)]
            + [pltpu.SemaphoreType.DMA for _ in range(2 * _NBUF)]
        ),
    )
    def gather_kernel(w_hbm, i_hbm, o_hbm, idx_v, *bufs_and_sems):
        bufs = bufs_and_sems[:_NBUF]
        gsem = bufs_and_sems[_NBUF:2 * _NBUF]
        wsem = bufs_and_sems[2 * _NBUF:]

        wid = jax.lax.axis_index("s") * _NC + jax.lax.axis_index("c")
        tok0 = wid * toks_w

        pltpu.sync_copy(i_hbm.at[wid], idx_v)

        def start_gather(c, b):
            pltpu.async_copy(w_hbm.at[idx_v.at[c]], bufs[b], gsem[b])

        def wait_gather(b):
            pltpu.make_async_copy(
                w_hbm.at[idx_v.at[0]], bufs[b], gsem[b]).wait()

        def start_write(c, b):
            pltpu.async_copy(
                bufs[b], o_hbm.at[pl.ds(tok0 + c * _CHUNK, _CHUNK)], wsem[b])

        def wait_write(b):
            pltpu.make_async_copy(
                bufs[b], o_hbm.at[pl.ds(tok0, _CHUNK)], wsem[b]).wait()

        for b in range(_NBUF):
            start_gather(b, b)

        @pl.loop(0, chunks, step=_NBUF)
        def _(c0):
            for b in range(_NBUF):
                c = c0 + b
                wait_gather(b)
                start_write(c, b)
                nxt = c + _NBUF

                @pl.when(nxt < chunks)
                def _():
                    wait_write(b)
                    start_gather(nxt, b)

        for b in range(_NBUF):
            wait_write(b)

    return gather_kernel(weight, x_3d)


def kernel(x, weight):
    batch, seq = x.shape
    _, dim = weight.shape
    seqp = 24
    vocab = weight.shape[0]
    pad_idx = (
        jnp.arange(batch, dtype=x.dtype)[:, None] * (seqp - seq)
        + jnp.arange(seqp - seq, dtype=x.dtype)
    ) % vocab
    xp = jnp.concatenate([x, pad_idx], axis=1)
    n = batch * seqp
    toks_w = n // _NW
    dense = _sc_gather(xp.reshape(_NW, toks_w // _CHUNK, _CHUNK), weight)
    return dense.reshape(batch, seqp, dim)[:, :seq, :]

# --- scband reference (transcript-rebuilt; emitter-appended) ---
"""Pipeline reference for scband-embedding-model-14044543058551 (READ-ONLY COPY).

The authoritative reference and input builder live on the scoring server;
editing this copy changes nothing except your own understanding.
"""

import jax, jax.numpy as jnp
import numpy as np

VOCAB_SIZE = 8404
INNER_DIM = 512
BATCH = 4096
SEQ = 20

def setup_inputs(seed: int = 0) -> dict:
    key = jax.random.key(seed)
    k1, k2 = jax.random.split(key)
    x = jax.random.randint(k1, (BATCH, SEQ), 0, VOCAB_SIZE, dtype=jnp.int64) if jax.config.jax_enable_x64 else jax.random.randint(k1, (BATCH, SEQ), 0, VOCAB_SIZE, dtype=jnp.int32)
    weight = jax.random.normal(k2, (VOCAB_SIZE, INNER_DIM), dtype=jnp.float32)
    return {"x": x, "weight": weight}

def reference(x, weight):
    # Faithful translation of nn.Embedding forward: gather rows of the table.
    return jnp.take(weight, x, axis=0)

if __name__ == "__main__":
    import jax
    _d = setup_inputs()
    print(jax.jit(kernel)(*tuple(_d.values())))

</pallas_src>

<mosaic_0001>
#map = affine_map<(d0, d1) -> (0, 0)>
#map1 = affine_map<(d0, d1) -> (0, 0, 0)>
module attributes {stable_mosaic.version = 14 : i64} {
  func.func @gather_kernel(%arg0: i32, %arg1: i32, %arg2: memref<8404x512xf32, #tpu.memory_space<hbm>>, %arg3: memref<32x128x24xi32, #tpu.memory_space<hbm>>, %arg4: memref<98304x512xf32, #tpu.memory_space<hbm>>, %arg5: memref<128x24xi32, #tpu.memory_space<vmem>>, %arg6: memref<24x512xf32, #tpu.memory_space<vmem>>, %arg7: memref<24x512xf32, #tpu.memory_space<vmem>>, %arg8: memref<24x512xf32, #tpu.memory_space<vmem>>, %arg9: memref<24x512xf32, #tpu.memory_space<vmem>>, %arg10: memref<24x512xf32, #tpu.memory_space<vmem>>, %arg11: memref<24x512xf32, #tpu.memory_space<vmem>>, %arg12: memref<24x512xf32, #tpu.memory_space<vmem>>, %arg13: memref<24x512xf32, #tpu.memory_space<vmem>>, %arg14: memref<!tpu.dma_semaphore, #tpu.memory_space<semaphore_mem>>, %arg15: memref<!tpu.dma_semaphore, #tpu.memory_space<semaphore_mem>>, %arg16: memref<!tpu.dma_semaphore, #tpu.memory_space<semaphore_mem>>, %arg17: memref<!tpu.dma_semaphore, #tpu.memory_space<semaphore_mem>>, %arg18: memref<!tpu.dma_semaphore, #tpu.memory_space<semaphore_mem>>, %arg19: memref<!tpu.dma_semaphore, #tpu.memory_space<semaphore_mem>>, %arg20: memref<!tpu.dma_semaphore, #tpu.memory_space<semaphore_mem>>, %arg21: memref<!tpu.dma_semaphore, #tpu.memory_space<semaphore_mem>>, %arg22: memref<!tpu.dma_semaphore, #tpu.memory_space<semaphore_mem>>, %arg23: memref<!tpu.dma_semaphore, #tpu.memory_space<semaphore_mem>>, %arg24: memref<!tpu.dma_semaphore, #tpu.memory_space<semaphore_mem>>, %arg25: memref<!tpu.dma_semaphore, #tpu.memory_space<semaphore_mem>>, %arg26: memref<!tpu.dma_semaphore, #tpu.memory_space<semaphore_mem>>, %arg27: memref<!tpu.dma_semaphore, #tpu.memory_space<semaphore_mem>>, %arg28: memref<!tpu.dma_semaphore, #tpu.memory_space<semaphore_mem>>, %arg29: memref<!tpu.dma_semaphore, #tpu.memory_space<semaphore_mem>>) attributes {dimension_semantics = [#tpu.dimension_semantics<core_parallel>, #tpu.dimension_semantics<subcore_parallel>], iteration_bounds = array<i64: 2, 16>, scalar_prefetch = 0 : i64, scratch_operands = 25 : i64, tpu.core_type = #tpu.core_type<sc_vector_subcore>, window_params = [{transform_indices = #map}, {transform_indices = #map1}, {transform_indices = #map}]} {
    %mul3A = arith.constant 2 : i32
    %mul3A_0 = arith.muli %arg1, %mul3A : i32
    %add3A = arith.addi %mul3A_0, %arg0 : i32
    %mul3A_1 = arith.constant 3072 : i32
    %mul3A_2 = arith.muli %add3A, %mul3A_1 : i32
    "tpu.region"() ({
      %run_scoped3A = tpu.sem_alloc : memref<!tpu.dma_semaphore, #tpu.memory_space<semaphore_mem>>
      %dma_start3A_93 = arith.constant 0 : i32
      %dma_start3A_94 = arith.constant 0 : i32
      %dma_start3A_95 = tpu.memref_slice %arg3[%add3A, %dma_start3A_93, %dma_start3A_94] : memref<32x128x24xi32, #tpu.memory_space<hbm>> -> memref<1x128x24xi32, #tpu.memory_space<hbm>>
      %dma_start3A_96 = tpu.memref_squeeze %dma_start3A_95 : memref<1x128x24xi32, #tpu.memory_space<hbm>> -> memref<128x24xi32, #tpu.memory_space<hbm>>
      %dma_start3A_97 = arith.constant 0 : i32
      %dma_start3A_98 = arith.constant 0 : i32
      %dma_start3A_99 = tpu.memref_slice %arg3[%add3A, %dma_start3A_97, %dma_start3A_98] : memref<32x128x24xi32, #tpu.memory_space<hbm>> -> memref<1x128x24xi32, #tpu.memory_space<hbm>>
      %dma_start3A_100 = tpu.memref_squeeze %dma_start3A_99 : memref<1x128x24xi32, #tpu.memory_space<hbm>> -> memref<128x24xi32, #tpu.memory_space<hbm>>
      tpu.enqueue_dma source(%dma_start3A_100 : memref<128x24xi32, #tpu.memory_space<hbm>>) target(%arg5 : memref<128x24xi32, #tpu.memory_space<vmem>>) target_semaphore(%run_scoped3A : memref<!tpu.dma_semaphore, #tpu.memory_space<semaphore_mem>>)
      %dma_wait3A_101 = arith.constant 0 : i32
      %dma_wait3A_102 = arith.constant 0 : i32
      %dma_wait3A_103 = tpu.memref_slice %arg3[%add3A, %dma_wait3A_101, %dma_wait3A_102] : memref<32x128x24xi32, #tpu.memory_space<hbm>> -> memref<1x128x24xi32, #tpu.memory_space<hbm>>
      %dma_wait3A_104 = tpu.memref_squeeze %dma_wait3A_103 : memref<1x128x24xi32, #tpu.memory_space<hbm>> -> memref<128x24xi32, #tpu.memory_space<hbm>>
      %dma_wait3A_105 = arith.constant 0 : i32
      %dma_wait3A_106 = arith.constant 0 : i32
      %dma_wait3A_107 = tpu.memref_slice %arg3[%add3A, %dma_wait3A_105, %dma_wait3A_106] : memref<32x128x24xi32, #tpu.memory_space<hbm>> -> memref<1x128x24xi32, #tpu.memory_space<hbm>>
      %dma_wait3A_108 = tpu.memref_squeeze %dma_wait3A_107 : memref<1x128x24xi32, #tpu.memory_space<hbm>> -> memref<128x24xi32, #tpu.memory_space<hbm>>
      tpu.wait_dma2 semaphore(%run_scoped3A : memref<!tpu.dma_semaphore, #tpu.memory_space<semaphore_mem>>) src(%dma_wait3A_108 : memref<128x24xi32, #tpu.memory_space<hbm>>) dst(%arg5 : memref<128x24xi32, #tpu.memory_space<vmem>>)
      tpu.yield
    }) : () -> ()
    %dma_start3A = arith.constant 0 : i32
    %dma_start3A_3 = arith.constant 0 : i32
    %dma_start3A_4 = tpu.memref_slice %arg5[%dma_start3A, %dma_start3A_3] : memref<128x24xi32, #tpu.memory_space<vmem>> -> memref<1x24xi32, #tpu.memory_space<vmem>>
    %dma_start3A_5 = tpu.memref_squeeze %dma_start3A_4 : memref<1x24xi32, #tpu.memory_space<vmem>> -> memref<24xi32, #tpu.memory_space<vmem>>
    %dma_start3A_6 = arith.constant 0 : i32
    %dma_start3A_7 = arith.constant 0 : i32
    %dma_start3A_8 = tpu.memref_slice %arg2[%dma_start3A_6, %dma_start3A_7] : memref<8404x512xf32, #tpu.memory_space<hbm>> -> memref<8404x512xf32, #tpu.memory_space<hbm>>
    tpu.enqueue_indirect_dma source(%dma_start3A_8 : memref<8404x512xf32, #tpu.memory_space<hbm>>) target(%arg6 : memref<24x512xf32, #tpu.memory_space<vmem>>) offsets(%dma_start3A_5 : memref<24xi32, #tpu.memory_space<vmem>>) semaphore(%arg14 : memref<!tpu.dma_semaphore, #tpu.memory_space<semaphore_mem>>)
    %dma_start3A_9 = arith.constant 1 : i32
    %dma_start3A_10 = arith.constant 0 : i32
    %dma_start3A_11 = tpu.memref_slice %arg5[%dma_start3A_9, %dma_start3A_10] : memref<128x24xi32, #tpu.memory_space<vmem>> -> memref<1x24xi32, #tpu.memory_space<vmem>>
    %dma_start3A_12 = tpu.memref_squeeze %dma_start3A_11 : memref<1x24xi32, #tpu.memory_space<vmem>> -> memref<24xi32, #tpu.memory_space<vmem>>
    %dma_start3A_13 = arith.constant 0 : i32
    %dma_start3A_14 = arith.constant 0 : i32
    %dma_start3A_15 = tpu.memref_slice %arg2[%dma_start3A_13, %dma_start3A_14] : memref<8404x512xf32, #tpu.memory_space<hbm>> -> memref<8404x512xf32, #tpu.memory_space<hbm>>
    tpu.enqueue_indirect_dma source(%dma_start3A_15 : memref<8404x512xf32, #tpu.memory_space<hbm>>) target(%arg7 : memref<24x512xf32, #tpu.memory_space<vmem>>) offsets(%dma_start3A_12 : memref<24xi32, #tpu.memory_space<vmem>>) semaphore(%arg15 : memref<!tpu.dma_semaphore, #tpu.memory_space<semaphore_mem>>)
    %dma_start3A_16 = arith.constant 2 : i32
    %dma_start3A_17 = arith.constant 0 : i32
    %dma_start3A_18 = tpu.memref_slice %arg5[%dma_start3A_16, %dma_start3A_17] : memref<128x24xi32, #tpu.memory_space<vmem>> -> memref<1x24xi32, #tpu.memory_space<vmem>>
    %dma_start3A_19 = tpu.memref_squeeze %dma_start3A_18 : memref<1x24xi32, #tpu.memory_space<vmem>> -> memref<24xi32, #tpu.memory_space<vmem>>
    %dma_start3A_20 = arith.constant 0 : i32
    %dma_start3A_21 = arith.constant 0 : i32
    %dma_start3A_22 = tpu.memref_slice %arg2[%dma_start3A_20, %dma_start3A_21] : memref<8404x512xf32, #tpu.memory_space<hbm>> -> memref<8404x512xf32, #tpu.memory_space<hbm>>
    tpu.enqueue_indirect_dma source(%dma_start3A_22 : memref<8404x512xf32, #tpu.memory_space<hbm>>) target(%arg8 : memref<24x512xf32, #tpu.memory_space<vmem>>) offsets(%dma_start3A_19 : memref<24xi32, #tpu.memory_space<vmem>>) semaphore(%arg16 : memref<!tpu.dma_semaphore, #tpu.memory_space<semaphore_mem>>)
    %dma_start3A_23 = arith.constant 3 : i32
    %dma_start3A_24 = arith.constant 0 : i32
    %dma_start3A_25 = tpu.memref_slice %arg5[%dma_start3A_23, %dma_start3A_24] : memref<128x24xi32, #tpu.memory_space<vmem>> -> memref<1x24xi32, #tpu.memory_space<vmem>>
    %dma_start3A_26 = tpu.memref_squeeze %dma_start3A_25 : memref<1x24xi32, #tpu.memory_space<vmem>> -> memref<24xi32, #tpu.memory_space<vmem>>
    %dma_start3A_27 = arith.constant 0 : i32
    %dma_start3A_28 = arith.constant 0 : i32
    %dma_start3A_29 = tpu.memref_slice %arg2[%dma_start3A_27, %dma_start3A_28] : memref<8404x512xf32, #tpu.memory_space<hbm>> -> memref<8404x512xf32, #tpu.memory_space<hbm>>
    tpu.enqueue_indirect_dma source(%dma_start3A_29 : memref<8404x512xf32, #tpu.memory_space<hbm>>) target(%arg9 : memref<24x512xf32, #tpu.memory_space<vmem>>) offsets(%dma_start3A_26 : memref<24xi32, #tpu.memory_space<vmem>>) semaphore(%arg17 : memref<!tpu.dma_semaphore, #tpu.memory_space<semaphore_mem>>)
    %dma_start3A_30 = arith.constant 4 : i32
    %dma_start3A_31 = arith.constant 0 : i32
    %dma_start3A_32 = tpu.memref_slice %arg5[%dma_start3A_30, %dma_start3A_31] : memref<128x24xi32, #tpu.memory_space<vmem>> -> memref<1x24xi32, #tpu.memory_space<vmem>>
    %dma_start3A_33 = tpu.memref_squeeze %dma_start3A_32 : memref<1x24xi32, #tpu.memory_space<vmem>> -> memref<24xi32, #tpu.memory_space<vmem>>
    %dma_start3A_34 = arith.constant 0 : i32
    %dma_start3A_35 = arith.constant 0 : i32
    %dma_start3A_36 = tpu.memref_slice %arg2[%dma_start3A_34, %dma_start3A_35] : memref<8404x512xf32, #tpu.memory_space<hbm>> -> memref<8404x512xf32, #tpu.memory_space<hbm>>
    tpu.enqueue_indirect_dma source(%dma_start3A_36 : memref<8404x512xf32, #tpu.memory_space<hbm>>) target(%arg10 : memref<24x512xf32, #tpu.memory_space<vmem>>) offsets(%dma_start3A_33 : memref<24xi32, #tpu.memory_space<vmem>>) semaphore(%arg18 : memref<!tpu.dma_semaphore, #tpu.memory_space<semaphore_mem>>)
    %dma_start3A_37 = arith.constant 5 : i32
    %dma_start3A_38 = arith.constant 0 : i32
    %dma_start3A_39 = tpu.memref_slice %arg5[%dma_start3A_37, %dma_start3A_38] : memref<128x24xi32, #tpu.memory_space<vmem>> -> memref<1x24xi32, #tpu.memory_space<vmem>>
    %dma_start3A_40 = tpu.memref_squeeze %dma_start3A_39 : memref<1x24xi32, #tpu.memory_space<vmem>> -> memref<24xi32, #tpu.memory_space<vmem>>
    %dma_start3A_41 = arith.constant 0 : i32
    %dma_start3A_42 = arith.constant 0 : i32
    %dma_start3A_43 = tpu.memref_slice %arg2[%dma_start3A_41, %dma_start3A_42] : memref<8404x512xf32, #tpu.memory_space<hbm>> -> memref<8404x512xf32, #tpu.memory_space<hbm>>
    tpu.enqueue_indirect_dma source(%dma_start3A_43 : memref<8404x512xf32, #tpu.memory_space<hbm>>) target(%arg11 : memref<24x512xf32, #tpu.memory_space<vmem>>) offsets(%dma_start3A_40 : memref<24xi32, #tpu.memory_space<vmem>>) semaphore(%arg19 : memref<!tpu.dma_semaphore, #tpu.memory_space<semaphore_mem>>)
    %dma_start3A_44 = arith.constant 6 : i32
    %dma_start3A_45 = arith.constant 0 : i32
    %dma_start3A_46 = tpu.memref_slice %arg5[%dma_start3A_44, %dma_start3A_45] : memref<128x24xi32, #tpu.memory_space<vmem>> -> memref<1x24xi32, #tpu.memory_space<vmem>>
    %dma_start3A_47 = tpu.memref_squeeze %dma_start3A_46 : memref<1x24xi32, #tpu.memory_space<vmem>> -> memref<24xi32, #tpu.memory_space<vmem>>
    %dma_start3A_48 = arith.constant 0 : i32
    %dma_start3A_49 = arith.constant 0 : i32
    %dma_start3A_50 = tpu.memref_slice %arg2[%dma_start3A_48, %dma_start3A_49] : memref<8404x512xf32, #tpu.memory_space<hbm>> -> memref<8404x512xf32, #tpu.memory_space<hbm>>
    tpu.enqueue_indirect_dma source(%dma_start3A_50 : memref<8404x512xf32, #tpu.memory_space<hbm>>) target(%arg12 : memref<24x512xf32, #tpu.memory_space<vmem>>) offsets(%dma_start3A_47 : memref<24xi32, #tpu.memory_space<vmem>>) semaphore(%arg20 : memref<!tpu.dma_semaphore, #tpu.memory_space<semaphore_mem>>)
    %dma_start3A_51 = arith.constant 7 : i32
    %dma_start3A_52 = arith.constant 0 : i32
    %dma_start3A_53 = tpu.memref_slice %arg5[%dma_start3A_51, %dma_start3A_52] : memref<128x24xi32, #tpu.memory_space<vmem>> -> memref<1x24xi32, #tpu.memory_space<vmem>>
    %dma_start3A_54 = tpu.memref_squeeze %dma_start3A_53 : memref<1x24xi32, #tpu.memory_space<vmem>> -> memref<24xi32, #tpu.memory_space<vmem>>
    %dma_start3A_55 = arith.constant 0 : i32
    %dma_start3A_56 = arith.constant 0 : i32
    %dma_start3A_57 = tpu.memref_slice %arg2[%dma_start3A_55, %dma_start3A_56] : memref<8404x512xf32, #tpu.memory_space<hbm>> -> memref<8404x512xf32, #tpu.memory_space<hbm>>
    tpu.enqueue_indirect_dma source(%dma_start3A_57 : memref<8404x512xf32, #tpu.memory_space<hbm>>) target(%arg13 : memref<24x512xf32, #tpu.memory_space<vmem>>) offsets(%dma_start3A_54 : memref<24xi32, #tpu.memory_space<vmem>>) semaphore(%arg21 : memref<!tpu.dma_semaphore, #tpu.memory_space<semaphore_mem>>)
    %scan3A = arith.constant 0 : i32
    %scan3A_58 = arith.constant 16 : i32
    %scan3A_59 = arith.addi %scan3A, %scan3A_58 : i32
    %scan3A_60 = arith.constant 1 : i32
    scf.for %scan3A_93 = %scan3A to %scan3A_59 step %scan3A_60  : i32 {
      %mul3A_94 = arith.constant 8 : i32
      %mul3A_95 = arith.muli %scan3A_93, %mul3A_94 : i32
      %add3A_96 = arith.constant 0 : i32
      %add3A_97 = arith.addi %add3A_96, %mul3A_95 : i32
      %add3A_98 = arith.constant 0 : i32
      %add3A_99 = arith.addi %add3A_97, %add3A_98 : i32
      %dma_wait3A_100 = arith.constant 0 : i32
      %dma_wait3A_101 = arith.constant 0 : i32
      %dma_wait3A_102 = tpu.memref_slice %arg5[%dma_wait3A_100, %dma_wait3A_101] : memref<128x24xi32, #tpu.memory_space<vmem>> -> memref<1x24xi32, #tpu.memory_space<vmem>>
      %dma_wait3A_103 = tpu.memref_squeeze %dma_wait3A_102 : memref<1x24xi32, #tpu.memory_space<vmem>> -> memref<24xi32, #tpu.memory_space<vmem>>
      %dma_wait3A_104 = arith.constant 0 : i32
      %dma_wait3A_105 = arith.constant 0 : i32
      %dma_wait3A_106 = tpu.memref_slice %arg2[%dma_wait3A_104, %dma_wait3A_105] : memref<8404x512xf32, #tpu.memory_space<hbm>> -> memref<8404x512xf32, #tpu.memory_space<hbm>>
      tpu.wait_indirect_dma semaphore(%arg14 : memref<!tpu.dma_semaphore, #tpu.memory_space<semaphore_mem>>) src(%dma_wait3A_106 : memref<8404x512xf32, #tpu.memory_space<hbm>>) dst(%arg6 : memref<24x512xf32, #tpu.memory_space<vmem>>)
      %mul3A_107 = arith.constant 24 : i32
      %mul3A_108 = arith.muli %add3A_99, %mul3A_107 : i32
      %add3A_109 = arith.addi %mul3A_2, %mul3A_108 : i32
      %dma_start3A_110 = arith.constant 0 : i32
      %dma_start3A_111 = tpu.memref_slice %arg4[%add3A_109, %dma_start3A_110] : memref<98304x512xf32, #tpu.memory_space<hbm>> -> memref<24x512xf32, #tpu.memory_space<hbm>>
      %dma_start3A_112 = arith.constant 0 : i32
      %dma_start3A_113 = tpu.memref_slice %arg4[%add3A_109, %dma_start3A_112] : memref<98304x512xf32, #tpu.memory_space<hbm>> -> memref<24x512xf32, #tpu.memory_space<hbm>>
      tpu.enqueue_dma source(%arg6 : memref<24x512xf32, #tpu.memory_space<vmem>>) target(%dma_start3A_113 : memref<24x512xf32, #tpu.memory_space<hbm>>) target_semaphore(%arg22 : memref<!tpu.dma_semaphore, #tpu.memory_space<semaphore_mem>>)
      %add3A_114 = arith.constant 8 : i32
      %add3A_115 = arith.addi %add3A_99, %add3A_114 : i32
      %lt3A = arith.constant 128 : i32
      %lt3A_116 = arith.cmpi slt, %add3A_115, %lt3A : i32
      %convert_element_type3A = arith.extui %lt3A_116 : i1 to i32
      %cond3A = arith.constant 0 : i32
      %cond3A_117 = arith.cmpi ne, %convert_element_type3A, %cond3A : i32
      scf.if %cond3A_117 {
        %dma_wait3A_279 = arith.constant 0 : i32
        %dma_wait3A_280 = tpu.memref_slice %arg4[%mul3A_2, %dma_wait3A_279] : memref<98304x512xf32, #tpu.memory_space<hbm>> -> memref<24x512xf32, #tpu.memory_space<hbm>>
        %dma_wait3A_281 = arith.constant 0 : i32
        %dma_wait3A_282 = tpu.memref_slice %arg4[%mul3A_2, %dma_wait3A_281] : memref<98304x512xf32, #tpu.memory_space<hbm>> -> memref<24x512xf32, #tpu.memory_space<hbm>>
        tpu.wait_dma2 semaphore(%arg22 : memref<!tpu.dma_semaphore, #tpu.memory_space<semaphore_mem>>) src(%arg6 : memref<24x512xf32, #tpu.memory_space<vmem>>) dst(%dma_wait3A_282 : memref<24x512xf32, #tpu.memory_space<hbm>>)
        %dma_start3A_283 = arith.constant 0 : i32
        %dma_start3A_284 = tpu.memref_slice %arg5[%add3A_115, %dma_start3A_283] : memref<128x24xi32, #tpu.memory_space<vmem>> -> memref<1x24xi32, #tpu.memory_space<vmem>>
        %dma_start3A_285 = tpu.memref_squeeze %dma_start3A_284 : memref<1x24xi32, #tpu.memory_space<vmem>> -> memref<24xi32, #tpu.memory_space<vmem>>
        %dma_start3A_286 = arith.constant 0 : i32
        %dma_start3A_287 = arith.constant 0 : i32
        %dma_start3A_288 = tpu.memref_slice %arg2[%dma_start3A_286, %dma_start3A_287] : memref<8404x512xf32, #tpu.memory_space<hbm>> -> memref<8404x512xf32, #tpu.memory_space<hbm>>
        tpu.enqueue_indirect_dma source(%dma_start3A_288 : memref<8404x512xf32, #tpu.memory_space<hbm>>) target(%arg6 : memref<24x512xf32, #tpu.memory_space<vmem>>) offsets(%dma_start3A_285 : memref<24xi32, #tpu.memory_space<vmem>>) semaphore(%arg14 : memref<!tpu.dma_semaphore, #tpu.memory_space<semaphore_mem>>)
      } else {
      }
      %add3A_118 = arith.constant 1 : i32
      %add3A_119 = arith.addi %add3A_97, %add3A_118 : i32
      %dma_wait3A_120 = arith.constant 0 : i32
      %dma_wait3A_121 = arith.constant 0 : i32
      %dma_wait3A_122 = tpu.memref_slice %arg5[%dma_wait3A_120, %dma_wait3A_121] : memref<128x24xi32, #tpu.memory_space<vmem>> -> memref<1x24xi32, #tpu.memory_space<vmem>>
      %dma_wait3A_123 = tpu.memref_squeeze %dma_wait3A_122 : memref<1x24xi32, #tpu.memory_space<vmem>> -> memref<24xi32, #tpu.memory_space<vmem>>
      %dma_wait3A_124 = arith.constant 0 : i32
      %dma_wait3A_125 = arith.constant 0 : i32
      %dma_wait3A_126 = tpu.memref_slice %arg2[%dma_wait3A_124, %dma_wait3A_125] : memref<8404x512xf32, #tpu.memory_space<hbm>> -> memref<8404x512xf32, #tpu.memory_space<hbm>>
      tpu.wait_indirect_dma semaphore(%arg15 : memref<!tpu.dma_semaphore, #tpu.memory_space<semaphore_mem>>) src(%dma_wait3A_126 : memref<8404x512xf32, #tpu.memory_space<hbm>>) dst(%arg7 : memref<24x512xf32, #tpu.memory_space<vmem>>)
      %mul3A_127 = arith.constant 24 : i32
      %mul3A_128 = arith.muli %add3A_119, %mul3A_127 : i32
      %add3A_129 = arith.addi %mul3A_2, %mul3A_128 : i32
      %dma_start3A_130 = arith.constant 0 : i32
      %dma_start3A_131 = tpu.memref_slice %arg4[%add3A_129, %dma_start3A_130] : memref<98304x512xf32, #tpu.memory_space<hbm>> -> memref<24x512xf32, #tpu.memory_space<hbm>>
      %dma_start3A_132 = arith.constant 0 : i32
      %dma_start3A_133 = tpu.memref_slice %arg4[%add3A_129, %dma_start3A_132] : memref<98304x512xf32, #tpu.memory_space<hbm>> -> memref<24x512xf32, #tpu.memory_space<hbm>>
      tpu.enqueue_dma source(%arg7 : memref<24x512xf32, #tpu.memory_space<vmem>>) target(%dma_start3A_133 : memref<24x512xf32, #tpu.memory_space<hbm>>) target_semaphore(%arg23 : memref<!tpu.dma_semaphore, #tpu.memory_space<semaphore_mem>>)
      %add3A_134 = arith.constant 8 : i32
      %add3A_135 = arith.addi %add3A_119, %add3A_134 : i32
      %lt3A_136 = arith.constant 128 : i32
      %lt3A_137 = arith.cmpi slt, %add3A_135, %lt3A_136 : i32
      %convert_element_type3A_138 = arith.extui %lt3A_137 : i1 to i32
      %cond3A_139 = arith.constant 0 : i32
      %cond3A_140 = arith.cmpi ne, %convert_element_type3A_138, %cond3A_139 : i32
      scf.if %cond3A_140 {
        %dma_wait3A_279 = arith.constant 0 : i32
        %dma_wait3A_280 = tpu.memref_slice %arg4[%mul3A_2, %dma_wait3A_279] : memref<98304x512xf32, #tpu.memory_space<hbm>> -> memref<24x512xf32, #tpu.memory_space<hbm>>
        %dma_wait3A_281 = arith.constant 0 : i32
        %dma_wait3A_282 = tpu.memref_slice %arg4[%mul3A_2, %dma_wait3A_281] : memref<98304x512xf32, #tpu.memory_space<hbm>> -> memref<24x512xf32, #tpu.memory_space<hbm>>
        tpu.wait_dma2 semaphore(%arg23 : memref<!tpu.dma_semaphore, #tpu.memory_space<semaphore_mem>>) src(%arg7 : memref<24x512xf32, #tpu.memory_space<vmem>>) dst(%dma_wait3A_282 : memref<24x512xf32, #tpu.memory_space<hbm>>)
        %dma_start3A_283 = arith.constant 0 : i32
        %dma_start3A_284 = tpu.memref_slice %arg5[%add3A_135, %dma_start3A_283] : memref<128x24xi32, #tpu.memory_space<vmem>> -> memref<1x24xi32, #tpu.memory_space<vmem>>
        %dma_start3A_285 = tpu.memref_squeeze %dma_start3A_284 : memref<1x24xi32, #tpu.memory_space<vmem>> -> memref<24xi32, #tpu.memory_space<vmem>>
        %dma_start3A_286 = arith.constant 0 : i32
        %dma_start3A_287 = arith.constant 0 : i32
        %dma_start3A_288 = tpu.memref_slice %arg2[%dma_start3A_286, %dma_start3A_287] : memref<8404x512xf32, #tpu.memory_space<hbm>> -> memref<8404x512xf32, #tpu.memory_space<hbm>>
        tpu.enqueue_indirect_dma source(%dma_start3A_288 : memref<8404x512xf32, #tpu.memory_space<hbm>>) target(%arg7 : memref<24x512xf32, #tpu.memory_space<vmem>>) offsets(%dma_start3A_285 : memref<24xi32, #tpu.memory_space<vmem>>) semaphore(%arg15 : memref<!tpu.dma_semaphore, #tpu.memory_space<semaphore_mem>>)
      } else {
      }
      %add3A_141 = arith.constant 2 : i32
      %add3A_142 = arith.addi %add3A_97, %add3A_141 : i32
      %dma_wait3A_143 = arith.constant 0 : i32
      %dma_wait3A_144 = arith.constant 0 : i32
      %dma_wait3A_145 = tpu.memref_slice %arg5[%dma_wait3A_143, %dma_wait3A_144] : memref<128x24xi32, #tpu.memory_space<vmem>> -> memref<1x24xi32, #tpu.memory_space<vmem>>
      %dma_wait3A_146 = tpu.memref_squeeze %dma_wait3A_145 : memref<1x24xi32, #tpu.memory_space<vmem>> -> memref<24xi32, #tpu.memory_space<vmem>>
      %dma_wait3A_147 = arith.constant 0 : i32
      %dma_wait3A_148 = arith.constant 0 : i32
      %dma_wait3A_149 = tpu.memref_slice %arg2[%dma_wait3A_147, %dma_wait3A_148] : memref<8404x512xf32, #tpu.memory_space<hbm>> -> memref<8404x512xf32, #tpu.memory_space<hbm>>
      tpu.wait_indirect_dma semaphore(%arg16 : memref<!tpu.dma_semaphore, #tpu.memory_space<semaphore_mem>>) src(%dma_wait3A_149 : memref<8404x512xf32, #tpu.memory_space<hbm>>) dst(%arg8 : memref<24x512xf32, #tpu.memory_space<vmem>>)
      %mul3A_150 = arith.constant 24 : i32
      %mul3A_151 = arith.muli %add3A_142, %mul3A_150 : i32
      %add3A_152 = arith.addi %mul3A_2, %mul3A_151 : i32
      %dma_start3A_153 = arith.constant 0 : i32
      %dma_start3A_154 = tpu.memref_slice %arg4[%add3A_152, %dma_start3A_153] : memref<98304x512xf32, #tpu.memory_space<hbm>> -> memref<24x512xf32, #tpu.memory_space<hbm>>
      %dma_start3A_155 = arith.constant 0 : i32
      %dma_start3A_156 = tpu.memref_slice %arg4[%add3A_152, %dma_start3A_155] : memref<98304x512xf32, #tpu.memory_space<hbm>> -> memref<24x512xf32, #tpu.memory_space<hbm>>
      tpu.enqueue_dma source(%arg8 : memref<24x512xf32, #tpu.memory_space<vmem>>) target(%dma_start3A_156 : memref<24x512xf32, #tpu.memory_space<hbm>>) target_semaphore(%arg24 : memref<!tpu.dma_semaphore, #tpu.memory_space<semaphore_mem>>)
      %add3A_157 = arith.constant 8 : i32
      %add3A_158 = arith.addi %add3A_142, %add3A_157 : i32
      %lt3A_159 = arith.constant 128 : i32
      %lt3A_160 = arith.cmpi slt, %add3A_158, %lt3A_159 : i32
      %convert_element_type3A_161 = arith.extui %lt3A_160 : i1 to i32
      %cond3A_162 = arith.constant 0 : i32
      %cond3A_163 = arith.cmpi ne, %convert_element_type3A_161, %cond3A_162 : i32
      scf.if %cond3A_163 {
        %dma_wait3A_279 = arith.constant 0 : i32
        %dma_wait3A_280 = tpu.memref_slice %arg4[%mul3A_2, %dma_wait3A_279] : memref<98304x512xf32, #tpu.memory_space<hbm>> -> memref<24x512xf32, #tpu.memory_space<hbm>>
        %dma_wait3A_281 = arith.constant 0 : i32
        %dma_wait3A_282 = tpu.memref_slice %arg4[%mul3A_2, %dma_wait3A_281] : memref<98304x512xf32, #tpu.memory_space<hbm>> -> memref<24x512xf32, #tpu.memory_space<hbm>>
        tpu.wait_dma2 semaphore(%arg24 : memref<!tpu.dma_semaphore, #tpu.memory_space<semaphore_mem>>) src(%arg8 : memref<24x512xf32, #tpu.memory_space<vmem>>) dst(%dma_wait3A_282 : memref<24x512xf32, #tpu.memory_space<hbm>>)
        %dma_start3A_283 = arith.constant 0 : i32
        %dma_start3A_284 = tpu.memref_slice %arg5[%add3A_158, %dma_start3A_283] : memref<128x24xi32, #tpu.memory_space<vmem>> -> memref<1x24xi32, #tpu.memory_space<vmem>>
        %dma_start3A_285 = tpu.memref_squeeze %dma_start3A_284 : memref<1x24xi32, #tpu.memory_space<vmem>> -> memref<24xi32, #tpu.memory_space<vmem>>
        %dma_start3A_286 = arith.constant 0 : i32
        %dma_start3A_287 = arith.constant 0 : i32
        %dma_start3A_288 = tpu.memref_slice %arg2[%dma_start3A_286, %dma_start3A_287] : memref<8404x512xf32, #tpu.memory_space<hbm>> -> memref<8404x512xf32, #tpu.memory_space<hbm>>
        tpu.enqueue_indirect_dma source(%dma_start3A_288 : memref<8404x512xf32, #tpu.memory_space<hbm>>) target(%arg8 : memref<24x512xf32, #tpu.memory_space<vmem>>) offsets(%dma_start3A_285 : memref<24xi32, #tpu.memory_space<vmem>>) semaphore(%arg16 : memref<!tpu.dma_semaphore, #tpu.memory_space<semaphore_mem>>)
      } else {
      }
      %add3A_164 = arith.constant 3 : i32
      %add3A_165 = arith.addi %add3A_97, %add3A_164 : i32
      %dma_wait3A_166 = arith.constant 0 : i32
      %dma_wait3A_167 = arith.constant 0 : i32
      %dma_wait3A_168 = tpu.memref_slice %arg5[%dma_wait3A_166, %dma_wait3A_167] : memref<128x24xi32, #tpu.memory_space<vmem>> -> memref<1x24xi32, #tpu.memory_space<vmem>>
      %dma_wait3A_169 = tpu.memref_squeeze %dma_wait3A_168 : memref<1x24xi32, #tpu.memory_space<vmem>> -> memref<24xi32, #tpu.memory_space<vmem>>
      %dma_wait3A_170 = arith.constant 0 : i32
      %dma_wait3A_171 = arith.constant 0 : i32
      %dma_wait3A_172 = tpu.memref_slice %arg2[%dma_wait3A_170, %dma_wait3A_171] : memref<8404x512xf32, #tpu.memory_space<hbm>> -> memref<8404x512xf32, #tpu.memory_space<hbm>>
      tpu.wait_indirect_dma semaphore(%arg17 : memref<!tpu.dma_semaphore, #tpu.memory_space<semaphore_mem>>) src(%dma_wait3A_172 : memref<8404x512xf32, #tpu.memory_space<hbm>>) dst(%arg9 : memref<24x512xf32, #tpu.memory_space<vmem>>)
      %mul3A_173 = arith.constant 24 : i32
      %mul3A_174 = arith.muli %add3A_165, %mul3A_173 : i32
      %add3A_175 = arith.addi %mul3A_2, %mul3A_174 : i32
      %dma_start3A_176 = arith.constant 0 : i32
      %dma_start3A_177 = tpu.memref_slice %arg4[%add3A_175, %dma_start3A_176] : memref<98304x512xf32, #tpu.memory_space<hbm>> -> memref<24x512xf32, #tpu.memory_space<hbm>>
      %dma_start3A_178 = arith.constant 0 : i32
      %dma_start3A_179 = tpu.memref_slice %arg4[%add3A_175, %dma_start3A_178] : memref<98304x512xf32, #tpu.memory_space<hbm>> -> memref<24x512xf32, #tpu.memory_space<hbm>>
      tpu.enqueue_dma source(%arg9 : memref<24x512xf32, #tpu.memory_space<vmem>>) target(%dma_start3A_179 : memref<24x512xf32, #tpu.memory_space<hbm>>) target_semaphore(%arg25 : memref<!tpu.dma_semaphore, #tpu.memory_space<semaphore_mem>>)
      %add3A_180 = arith.constant 8 : i32
      %add3A_181 = arith.addi %add3A_165, %add3A_180 : i32
      %lt3A_182 = arith.constant 128 : i32
      %lt3A_183 = arith.cmpi slt, %add3A_181, %lt3A_182 : i32
      %convert_element_type3A_184 = arith.extui %lt3A_183 : i1 to i32
      %cond3A_185 = arith.constant 0 : i32
      %cond3A_186 = arith.cmpi ne, %convert_element_type3A_184, %cond3A_185 : i32
      scf.if %cond3A_186 {
        %dma_wait3A_279 = arith.constant 0 : i32
        %dma_wait3A_280 = tpu.memref_slice %arg4[%mul3A_2, %dma_wait3A_279] : memref<98304x512xf32, #tpu.memory_space<hbm>> -> memref<24x512xf32, #tpu.memory_space<hbm>>
        %dma_wait3A_281 = arith.constant 0 : i32
        %dma_wait3A_282 = tpu.memref_slice %arg4[%mul3A_2, %dma_wait3A_281] : memref<98304x512xf32, #tpu.memory_space<hbm>> -> memref<24x512xf32, #tpu.memory_space<hbm>>
        tpu.wait_dma2 semaphore(%arg25 : memref<!tpu.dma_semaphore, #tpu.memory_space<semaphore_mem>>) src(%arg9 : memref<24x512xf32, #tpu.memory_space<vmem>>) dst(%dma_wait3A_282 : memref<24x512xf32, #tpu.memory_space<hbm>>)
        %dma_start3A_283 = arith.constant 0 : i32
        %dma_start3A_284 = tpu.memref_slice %arg5[%add3A_181, %dma_start3A_283] : memref<128x24xi32, #tpu.memory_space<vmem>> -> memref<1x24xi32, #tpu.memory_space<vmem>>
        %dma_start3A_285 = tpu.memref_squeeze %dma_start3A_284 : memref<1x24xi32, #tpu.memory_space<vmem>> -> memref<24xi32, #tpu.memory_space<vmem>>
        %dma_start3A_286 = arith.constant 0 : i32
        %dma_start3A_287 = arith.constant 0 : i32
        %dma_start3A_288 = tpu.memref_slice %arg2[%dma_start3A_286, %dma_start3A_287] : memref<8404x512xf32, #tpu.memory_space<hbm>> -> memref<8404x512xf32, #tpu.memory_space<hbm>>
        tpu.enqueue_indirect_dma source(%dma_start3A_288 : memref<8404x512xf32, #tpu.memory_space<hbm>>) target(%arg9 : memref<24x512xf32, #tpu.memory_space<vmem>>) offsets(%dma_start3A_285 : memref<24xi32, #tpu.memory_space<vmem>>) semaphore(%arg17 : memref<!tpu.dma_semaphore, #tpu.memory_space<semaphore_mem>>)
      } else {
      }
      %add3A_187 = arith.constant 4 : i32
      %add3A_188 = arith.addi %add3A_97, %add3A_187 : i32
      %dma_wait3A_189 = arith.constant 0 : i32
      %dma_wait3A_190 = arith.constant 0 : i32
      %dma_wait3A_191 = tpu.memref_slice %arg5[%dma_wait3A_189, %dma_wait3A_190] : memref<128x24xi32, #tpu.memory_space<vmem>> -> memref<1x24xi32, #tpu.memory_space<vmem>>
      %dma_wait3A_192 = tpu.memref_squeeze %dma_wait3A_191 : memref<1x24xi32, #tpu.memory_space<vmem>> -> memref<24xi32, #tpu.memory_space<vmem>>
      %dma_wait3A_193 = arith.constant 0 : i32
      %dma_wait3A_194 = arith.constant 0 : i32
      %dma_wait3A_195 = tpu.memref_slice %arg2[%dma_wait3A_193, %dma_wait3A_194] : memref<8404x512xf32, #tpu.memory_space<hbm>> -> memref<8404x512xf32, #tpu.memory_space<hbm>>
      tpu.wait_indirect_dma semaphore(%arg18 : memref<!tpu.dma_semaphore, #tpu.memory_space<semaphore_mem>>) src(%dma_wait3A_195 : memref<8404x512xf32, #tpu.memory_space<hbm>>) dst(%arg10 : memref<24x512xf32, #tpu.memory_space<vmem>>)
      %mul3A_196 = arith.constant 24 : i32
      %mul3A_197 = arith.muli %add3A_188, %mul3A_196 : i32
      %add3A_198 = arith.addi %mul3A_2, %mul3A_197 : i32
      %dma_start3A_199 = arith.constant 0 : i32
      %dma_start3A_200 = tpu.memref_slice %arg4[%add3A_198, %dma_start3A_199] : memref<98304x512xf32, #tpu.memory_space<hbm>> -> memref<24x512xf32, #tpu.memory_space<hbm>>
      %dma_start3A_201 = arith.constant 0 : i32
      %dma_start3A_202 = tpu.memref_slice %arg4[%add3A_198, %dma_start3A_201] : memref<98304x512xf32, #tpu.memory_space<hbm>> -> memref<24x512xf32, #tpu.memory_space<hbm>>
      tpu.enqueue_dma source(%arg10 : memref<24x512xf32, #tpu.memory_space<vmem>>) target(%dma_start3A_202 : memref<24x512xf32, #tpu.memory_space<hbm>>) target_semaphore(%arg26 : memref<!tpu.dma_semaphore, #tpu.memory_space<semaphore_mem>>)
      %add3A_203 = arith.constant 8 : i32
      %add3A_204 = arith.addi %add3A_188, %add3A_203 : i32
      %lt3A_205 = arith.constant 128 : i32
      %lt3A_206 = arith.cmpi slt, %add3A_204, %lt3A_205 : i32
      %convert_element_type3A_207 = arith.extui %lt3A_206 : i1 to i32
      %cond3A_208 = arith.constant 0 : i32
      %cond3A_209 = arith.cmpi ne, %convert_element_type3A_207, %cond3A_208 : i32
      scf.if %cond3A_209 {
        %dma_wait3A_279 = arith.constant 0 : i32
        %dma_wait3A_280 = tpu.memref_slice %arg4[%mul3A_2, %dma_wait3A_279] : memref<98304x512xf32, #tpu.memory_space<hbm>> -> memref<24x512xf32, #tpu.memory_space<hbm>>
        %dma_wait3A_281 = arith.constant 0 : i32
        %dma_wait3A_282 = tpu.memref_slice %arg4[%mul3A_2, %dma_wait3A_281] : memref<98304x512xf32, #tpu.memory_space<hbm>> -> memref<24x512xf32, #tpu.memory_space<hbm>>
        tpu.wait_dma2 semaphore(%arg26 : memref<!tpu.dma_semaphore, #tpu.memory_space<semaphore_mem>>) src(%arg10 : memref<24x512xf32, #tpu.memory_space<vmem>>) dst(%dma_wait3A_282 : memref<24x512xf32, #tpu.memory_space<hbm>>)
        %dma_start3A_283 = arith.constant 0 : i32
        %dma_start3A_284 = tpu.memref_slice %arg5[%add3A_204, %dma_start3A_283] : memref<128x24xi32, #tpu.memory_space<vmem>> -> memref<1x24xi32, #tpu.memory_space<vmem>>
        %dma_start3A_285 = tpu.memref_squeeze %dma_start3A_284 : memref<1x24xi32, #tpu.memory_space<vmem>> -> memref<24xi32, #tpu.memory_space<vmem>>
        %dma_start3A_286 = arith.constant 0 : i32
        %dma_start3A_287 = arith.constant 0 : i32
        %dma_start3A_288 = tpu.memref_slice %arg2[%dma_start3A_286, %dma_start3A_287] : memref<8404x512xf32, #tpu.memory_space<hbm>> -> memref<8404x512xf32, #tpu.memory_space<hbm>>
        tpu.enqueue_indirect_dma source(%dma_start3A_288 : memref<8404x512xf32, #tpu.memory_space<hbm>>) target(%arg10 : memref<24x512xf32, #tpu.memory_space<vmem>>) offsets(%dma_start3A_285 : memref<24xi32, #tpu.memory_space<vmem>>) semaphore(%arg18 : memref<!tpu.dma_semaphore, #tpu.memory_space<semaphore_mem>>)
      } else {
      }
      %add3A_210 = arith.constant 5 : i32
      %add3A_211 = arith.addi %add3A_97, %add3A_210 : i32
      %dma_wait3A_212 = arith.constant 0 : i32
      %dma_wait3A_213 = arith.constant 0 : i32
      %dma_wait3A_214 = tpu.memref_slice %arg5[%dma_wait3A_212, %dma_wait3A_213] : memref<128x24xi32, #tpu.memory_space<vmem>> -> memref<1x24xi32, #tpu.memory_space<vmem>>
      %dma_wait3A_215 = tpu.memref_squeeze %dma_wait3A_214 : memref<1x24xi32, #tpu.memory_space<vmem>> -> memref<24xi32, #tpu.memory_space<vmem>>
      %dma_wait3A_216 = arith.constant 0 : i32
      %dma_wait3A_217 = arith.constant 0 : i32
      %dma_wait3A_218 = tpu.memref_slice %arg2[%dma_wait3A_216, %dma_wait3A_217] : memref<8404x512xf32, #tpu.memory_space<hbm>> -> memref<8404x512xf32, #tpu.memory_space<hbm>>
      tpu.wait_indirect_dma semaphore(%arg19 : memref<!tpu.dma_semaphore, #tpu.memory_space<semaphore_mem>>) src(%dma_wait3A_218 : memref<8404x512xf32, #tpu.memory_space<hbm>>) dst(%arg11 : memref<24x512xf32, #tpu.memory_space<vmem>>)
      %mul3A_219 = arith.constant 24 : i32
      %mul3A_220 = arith.muli %add3A_211, %mul3A_219 : i32
      %add3A_221 = arith.addi %mul3A_2, %mul3A_220 : i32
      %dma_start3A_222 = arith.constant 0 : i32
      %dma_start3A_223 = tpu.memref_slice %arg4[%add3A_221, %dma_start3A_222] : memref<98304x512xf32, #tpu.memory_space<hbm>> -> memref<24x512xf32, #tpu.memory_space<hbm>>
      %dma_start3A_224 = arith.constant 0 : i32
      %dma_start3A_225 = tpu.memref_slice %arg4[%add3A_221, %dma_start3A_224] : memref<98304x512xf32, #tpu.memory_space<hbm>> -> memref<24x512xf32, #tpu.memory_space<hbm>>
      tpu.enqueue_dma source(%arg11 : memref<24x512xf32, #tpu.memory_space<vmem>>) target(%dma_start3A_225 : memref<24x512xf32, #tpu.memory_space<hbm>>) target_semaphore(%arg27 : memref<!tpu.dma_semaphore, #tpu.memory_space<semaphore_mem>>)
      %add3A_226 = arith.constant 8 : i32
      %add3A_227 = arith.addi %add3A_211, %add3A_226 : i32
      %lt3A_228 = arith.constant 128 : i32
      %lt3A_229 = arith.cmpi slt, %add3A_227, %lt3A_228 : i32
      %convert_element_type3A_230 = arith.extui %lt3A_229 : i1 to i32
      %cond3A_231 = arith.constant 0 : i32
      %cond3A_232 = arith.cmpi ne, %convert_element_type3A_230, %cond3A_231 : i32
      scf.if %cond3A_232 {
        %dma_wait3A_279 = arith.constant 0 : i32
        %dma_wait3A_280 = tpu.memref_slice %arg4[%mul3A_2, %dma_wait3A_279] : memref<98304x512xf32, #tpu.memory_space<hbm>> -> memref<24x512xf32, #tpu.memory_space<hbm>>
        %dma_wait3A_281 = arith.constant 0 : i32
        %dma_wait3A_282 = tpu.memref_slice %arg4[%mul3A_2, %dma_wait3A_281] : memref<98304x512xf32, #tpu.memory_space<hbm>> -> memref<24x512xf32, #tpu.memory_space<hbm>>
        tpu.wait_dma2 semaphore(%arg27 : memref<!tpu.dma_semaphore, #tpu.memory_space<semaphore_mem>>) src(%arg11 : memref<24x512xf32, #tpu.memory_space<vmem>>) dst(%dma_wait3A_282 : memref<24x512xf32, #tpu.memory_space<hbm>>)
        %dma_start3A_283 = arith.constant 0 : i32
        %dma_start3A_284 = tpu.memref_slice %arg5[%add3A_227, %dma_start3A_283] : memref<128x24xi32, #tpu.memory_space<vmem>> -> memref<1x24xi32, #tpu.memory_space<vmem>>
        %dma_start3A_285 = tpu.memref_squeeze %dma_start3A_284 : memref<1x24xi32, #tpu.memory_space<vmem>> -> memref<24xi32, #tpu.memory_space<vmem>>
        %dma_start3A_286 = arith.constant 0 : i32
        %dma_start3A_287 = arith.constant 0 : i32
        %dma_start3A_288 = tpu.memref_slice %arg2[%dma_start3A_286, %dma_start3A_287] : memref<8404x512xf32, #tpu.memory_space<hbm>> -> memref<8404x512xf32, #tpu.memory_space<hbm>>
        tpu.enqueue_indirect_dma source(%dma_start3A_288 : memref<8404x512xf32, #tpu.memory_space<hbm>>) target(%arg11 : memref<24x512xf32, #tpu.memory_space<vmem>>) offsets(%dma_start3A_285 : memref<24xi32, #tpu.memory_space<vmem>>) semaphore(%arg19 : memref<!tpu.dma_semaphore, #tpu.memory_space<semaphore_mem>>)
      } else {
      }
      %add3A_233 = arith.constant 6 : i32
      %add3A_234 = arith.addi %add3A_97, %add3A_233 : i32
      %dma_wait3A_235 = arith.constant 0 : i32
      %dma_wait3A_236 = arith.constant 0 : i32
      %dma_wait3A_237 = tpu.memref_slice %arg5[%dma_wait3A_235, %dma_wait3A_236] : memref<128x24xi32, #tpu.memory_space<vmem>> -> memref<1x24xi32, #tpu.memory_space<vmem>>
      %dma_wait3A_238 = tpu.memref_squeeze %dma_wait3A_237 : memref<1x24xi32, #tpu.memory_space<vmem>> -> memref<24xi32, #tpu.memory_space<vmem>>
      %dma_wait3A_239 = arith.constant 0 : i32
      %dma_wait3A_240 = arith.constant 0 : i32
      %dma_wait3A_241 = tpu.memref_slice %arg2[%dma_wait3A_239, %dma_wait3A_240] : memref<8404x512xf32, #tpu.memory_space<hbm>> -> memref<8404x512xf32, #tpu.memory_space<hbm>>
      tpu.wait_indirect_dma semaphore(%arg20 : memref<!tpu.dma_semaphore, #tpu.memory_space<semaphore_mem>>) src(%dma_wait3A_241 : memref<8404x512xf32, #tpu.memory_space<hbm>>) dst(%arg12 : memref<24x512xf32, #tpu.memory_space<vmem>>)
      %mul3A_242 = arith.constant 24 : i32
      %mul3A_243 = arith.muli %add3A_234, %mul3A_242 : i32
      %add3A_244 = arith.addi %mul3A_2, %mul3A_243 : i32
      %dma_start3A_245 = arith.constant 0 : i32
      %dma_start3A_246 = tpu.memref_slice %arg4[%add3A_244, %dma_start3A_245] : memref<98304x512xf32, #tpu.memory_space<hbm>> -> memref<24x512xf32, #tpu.memory_space<hbm>>
      %dma_start3A_247 = arith.constant 0 : i32
      %dma_start3A_248 = tpu.memref_slice %arg4[%add3A_244, %dma_start3A_247] : memref<98304x512xf32, #tpu.memory_space<hbm>> -> memref<24x512xf32, #tpu.memory_space<hbm>>
      tpu.enqueue_dma source(%arg12 : memref<24x512xf32, #tpu.memory_space<vmem>>) target(%dma_start3A_248 : memref<24x512xf32, #tpu.memory_space<hbm>>) target_semaphore(%arg28 : memref<!tpu.dma_semaphore, #tpu.memory_space<semaphore_mem>>)
      %add3A_249 = arith.constant 8 : i32
      %add3A_250 = arith.addi %add3A_234, %add3A_249 : i32
      %lt3A_251 = arith.constant 128 : i32
      %lt3A_252 = arith.cmpi slt, %add3A_250, %lt3A_251 : i32
      %convert_element_type3A_253 = arith.extui %lt3A_252 : i1 to i32
      %cond3A_254 = arith.constant 0 : i32
      %cond3A_255 = arith.cmpi ne, %convert_element_type3A_253, %cond3A_254 : i32
      scf.if %cond3A_255 {
        %dma_wait3A_279 = arith.constant 0 : i32
        %dma_wait3A_280 = tpu.memref_slice %arg4[%mul3A_2, %dma_wait3A_279] : memref<98304x512xf32, #tpu.memory_space<hbm>> -> memref<24x512xf32, #tpu.memory_space<hbm>>
        %dma_wait3A_281 = arith.constant 0 : i32
        %dma_wait3A_282 = tpu.memref_slice %arg4[%mul3A_2, %dma_wait3A_281] : memref<98304x512xf32, #tpu.memory_space<hbm>> -> memref<24x512xf32, #tpu.memory_space<hbm>>
        tpu.wait_dma2 semaphore(%arg28 : memref<!tpu.dma_semaphore, #tpu.memory_space<semaphore_mem>>) src(%arg12 : memref<24x512xf32, #tpu.memory_space<vmem>>) dst(%dma_wait3A_282 : memref<24x512xf32, #tpu.memory_space<hbm>>)
        %dma_start3A_283 = arith.constant 0 : i32
        %dma_start3A_284 = tpu.memref_slice %arg5[%add3A_250, %dma_start3A_283] : memref<128x24xi32, #tpu.memory_space<vmem>> -> memref<1x24xi32, #tpu.memory_space<vmem>>
        %dma_start3A_285 = tpu.memref_squeeze %dma_start3A_284 : memref<1x24xi32, #tpu.memory_space<vmem>> -> memref<24xi32, #tpu.memory_space<vmem>>
        %dma_start3A_286 = arith.constant 0 : i32
        %dma_start3A_287 = arith.constant 0 : i32
        %dma_start3A_288 = tpu.memref_slice %arg2[%dma_start3A_286, %dma_start3A_287] : memref<8404x512xf32, #tpu.memory_space<hbm>> -> memref<8404x512xf32, #tpu.memory_space<hbm>>
        tpu.enqueue_indirect_dma source(%dma_start3A_288 : memref<8404x512xf32, #tpu.memory_space<hbm>>) target(%arg12 : memref<24x512xf32, #tpu.memory_space<vmem>>) offsets(%dma_start3A_285 : memref<24xi32, #tpu.memory_space<vmem>>) semaphore(%arg20 : memref<!tpu.dma_semaphore, #tpu.memory_space<semaphore_mem>>)
      } else {
      }
      %add3A_256 = arith.constant 7 : i32
      %add3A_257 = arith.addi %add3A_97, %add3A_256 : i32
      %dma_wait3A_258 = arith.constant 0 : i32
      %dma_wait3A_259 = arith.constant 0 : i32
      %dma_wait3A_260 = tpu.memref_slice %arg5[%dma_wait3A_258, %dma_wait3A_259] : memref<128x24xi32, #tpu.memory_space<vmem>> -> memref<1x24xi32, #tpu.memory_space<vmem>>
      %dma_wait3A_261 = tpu.memref_squeeze %dma_wait3A_260 : memref<1x24xi32, #tpu.memory_space<vmem>> -> memref<24xi32, #tpu.memory_space<vmem>>
      %dma_wait3A_262 = arith.constant 0 : i32
      %dma_wait3A_263 = arith.constant 0 : i32
      %dma_wait3A_264 = tpu.memref_slice %arg2[%dma_wait3A_262, %dma_wait3A_263] : memref<8404x512xf32, #tpu.memory_space<hbm>> -> memref<8404x512xf32, #tpu.memory_space<hbm>>
      tpu.wait_indirect_dma semaphore(%arg21 : memref<!tpu.dma_semaphore, #tpu.memory_space<semaphore_mem>>) src(%dma_wait3A_264 : memref<8404x512xf32, #tpu.memory_space<hbm>>) dst(%arg13 : memref<24x512xf32, #tpu.memory_space<vmem>>)
      %mul3A_265 = arith.constant 24 : i32
      %mul3A_266 = arith.muli %add3A_257, %mul3A_265 : i32
      %add3A_267 = arith.addi %mul3A_2, %mul3A_266 : i32
      %dma_start3A_268 = arith.constant 0 : i32
      %dma_start3A_269 = tpu.memref_slice %arg4[%add3A_267, %dma_start3A_268] : memref<98304x512xf32, #tpu.memory_space<hbm>> -> memref<24x512xf32, #tpu.memory_space<hbm>>
      %dma_start3A_270 = arith.constant 0 : i32
      %dma_start3A_271 = tpu.memref_slice %arg4[%add3A_267, %dma_start3A_270] : memref<98304x512xf32, #tpu.memory_space<hbm>> -> memref<24x512xf32, #tpu.memory_space<hbm>>
      tpu.enqueue_dma source(%arg13 : memref<24x512xf32, #tpu.memory_space<vmem>>) target(%dma_start3A_271 : memref<24x512xf32, #tpu.memory_space<hbm>>) target_semaphore(%arg29 : memref<!tpu.dma_semaphore, #tpu.memory_space<semaphore_mem>>)
      %add3A_272 = arith.constant 8 : i32
      %add3A_273 = arith.addi %add3A_257, %add3A_272 : i32
      %lt3A_274 = arith.constant 128 : i32
      %lt3A_275 = arith.cmpi slt, %add3A_273, %lt3A_274 : i32
      %convert_element_type3A_276 = arith.extui %lt3A_275 : i1 to i32
      %cond3A_277 = arith.constant 0 : i32
      %cond3A_278 = arith.cmpi ne, %convert_element_type3A_276, %cond3A_277 : i32
      scf.if %cond3A_278 {
        %dma_wait3A_279 = arith.constant 0 : i32
        %dma_wait3A_280 = tpu.memref_slice %arg4[%mul3A_2, %dma_wait3A_279] : memref<98304x512xf32, #tpu.memory_space<hbm>> -> memref<24x512xf32, #tpu.memory_space<hbm>>
        %dma_wait3A_281 = arith.constant 0 : i32
        %dma_wait3A_282 = tpu.memref_slice %arg4[%mul3A_2, %dma_wait3A_281] : memref<98304x512xf32, #tpu.memory_space<hbm>> -> memref<24x512xf32, #tpu.memory_space<hbm>>
        tpu.wait_dma2 semaphore(%arg29 : memref<!tpu.dma_semaphore, #tpu.memory_space<semaphore_mem>>) src(%arg13 : memref<24x512xf32, #tpu.memory_space<vmem>>) dst(%dma_wait3A_282 : memref<24x512xf32, #tpu.memory_space<hbm>>)
        %dma_start3A_283 = arith.constant 0 : i32
        %dma_start3A_284 = tpu.memref_slice %arg5[%add3A_273, %dma_start3A_283] : memref<128x24xi32, #tpu.memory_space<vmem>> -> memref<1x24xi32, #tpu.memory_space<vmem>>
        %dma_start3A_285 = tpu.memref_squeeze %dma_start3A_284 : memref<1x24xi32, #tpu.memory_space<vmem>> -> memref<24xi32, #tpu.memory_space<vmem>>
        %dma_start3A_286 = arith.constant 0 : i32
        %dma_start3A_287 = arith.constant 0 : i32
        %dma_start3A_288 = tpu.memref_slice %arg2[%dma_start3A_286, %dma_start3A_287] : memref<8404x512xf32, #tpu.memory_space<hbm>> -> memref<8404x512xf32, #tpu.memory_space<hbm>>
        tpu.enqueue_indirect_dma source(%dma_start3A_288 : memref<8404x512xf32, #tpu.memory_space<hbm>>) target(%arg13 : memref<24x512xf32, #tpu.memory_space<vmem>>) offsets(%dma_start3A_285 : memref<24xi32, #tpu.memory_space<vmem>>) semaphore(%arg21 : memref<!tpu.dma_semaphore, #tpu.memory_space<semaphore_mem>>)
      } else {
      }
    }
    %scan3A_61 = arith.constant 16 : i32
    %dma_wait3A = arith.constant 0 : i32
    %dma_wait3A_62 = tpu.memref_slice %arg4[%mul3A_2, %dma_wait3A] : memref<98304x512xf32, #tpu.memory_space<hbm>> -> memref<24x512xf32, #tpu.memory_space<hbm>>
    %dma_wait3A_63 = arith.constant 0 : i32
    %dma_wait3A_64 = tpu.memref_slice %arg4[%mul3A_2, %dma_wait3A_63] : memref<98304x512xf32, #tpu.memory_space<hbm>> -> memref<24x512xf32, #tpu.memory_space<hbm>>
    tpu.wait_dma2 semaphore(%arg22 : memref<!tpu.dma_semaphore, #tpu.memory_space<semaphore_mem>>) src(%arg6 : memref<24x512xf32, #tpu.memory_space<vmem>>) dst(%dma_wait3A_64 : memref<24x512xf32, #tpu.memory_space<hbm>>)
    %dma_wait3A_65 = arith.constant 0 : i32
    %dma_wait3A_66 = tpu.memref_slice %arg4[%mul3A_2, %dma_wait3A_65] : memref<98304x512xf32, #tpu.memory_space<hbm>> -> memref<24x512xf32, #tpu.memory_space<hbm>>
    %dma_wait3A_67 = arith.constant 0 : i32
    %dma_wait3A_68 = tpu.memref_slice %arg4[%mul3A_2, %dma_wait3A_67] : memref<98304x512xf32, #tpu.memory_space<hbm>> -> memref<24x512xf32, #tpu.memory_space<hbm>>
    tpu.wait_dma2 semaphore(%arg23 : memref<!tpu.dma_semaphore, #tpu.memory_space<semaphore_mem>>) src(%arg7 : memref<24x512xf32, #tpu.memory_space<vmem>>) dst(%dma_wait3A_68 : memref<24x512xf32, #tpu.memory_space<hbm>>)
    %dma_wait3A_69 = arith.constant 0 : i32
    %dma_wait3A_70 = tpu.memref_slice %arg4[%mul3A_2, %dma_wait3A_69] : memref<98304x512xf32, #tpu.memory_space<hbm>> -> memref<24x512xf32, #tpu.memory_space<hbm>>
    %dma_wait3A_71 = arith.constant 0 : i32
    %dma_wait3A_72 = tpu.memref_slice %arg4[%mul3A_2, %dma_wait3A_71] : memref<98304x512xf32, #tpu.memory_space<hbm>> -> memref<24x512xf32, #tpu.memory_space<hbm>>
    tpu.wait_dma2 semaphore(%arg24 : memref<!tpu.dma_semaphore, #tpu.memory_space<semaphore_mem>>) src(%arg8 : memref<24x512xf32, #tpu.memory_space<vmem>>) dst(%dma_wait3A_72 : memref<24x512xf32, #tpu.memory_space<hbm>>)
    %dma_wait3A_73 = arith.constant 0 : i32
    %dma_wait3A_74 = tpu.memref_slice %arg4[%mul3A_2, %dma_wait3A_73] : memref<98304x512xf32, #tpu.memory_space<hbm>> -> memref<24x512xf32, #tpu.memory_space<hbm>>
    %dma_wait3A_75 = arith.constant 0 : i32
    %dma_wait3A_76 = tpu.memref_slice %arg4[%mul3A_2, %dma_wait3A_75] : memref<98304x512xf32, #tpu.memory_space<hbm>> -> memref<24x512xf32, #tpu.memory_space<hbm>>
    tpu.wait_dma2 semaphore(%arg25 : memref<!tpu.dma_semaphore, #tpu.memory_space<semaphore_mem>>) src(%arg9 : memref<24x512xf32, #tpu.memory_space<vmem>>) dst(%dma_wait3A_76 : memref<24x512xf32, #tpu.memory_space<hbm>>)
    %dma_wait3A_77 = arith.constant 0 : i32
    %dma_wait3A_78 = tpu.memref_slice %arg4[%mul3A_2, %dma_wait3A_77] : memref<98304x512xf32, #tpu.memory_space<hbm>> -> memref<24x512xf32, #tpu.memory_space<hbm>>
    %dma_wait3A_79 = arith.constant 0 : i32
    %dma_wait3A_80 = tpu.memref_slice %arg4[%mul3A_2, %dma_wait3A_79] : memref<98304x512xf32, #tpu.memory_space<hbm>> -> memref<24x512xf32, #tpu.memory_space<hbm>>
    tpu.wait_dma2 semaphore(%arg26 : memref<!tpu.dma_semaphore, #tpu.memory_space<semaphore_mem>>) src(%arg10 : memref<24x512xf32, #tpu.memory_space<vmem>>) dst(%dma_wait3A_80 : memref<24x512xf32, #tpu.memory_space<hbm>>)
    %dma_wait3A_81 = arith.constant 0 : i32
    %dma_wait3A_82 = tpu.memref_slice %arg4[%mul3A_2, %dma_wait3A_81] : memref<98304x512xf32, #tpu.memory_space<hbm>> -> memref<24x512xf32, #tpu.memory_space<hbm>>
    %dma_wait3A_83 = arith.constant 0 : i32
    %dma_wait3A_84 = tpu.memref_slice %arg4[%mul3A_2, %dma_wait3A_83] : memref<98304x512xf32, #tpu.memory_space<hbm>> -> memref<24x512xf32, #tpu.memory_space<hbm>>
    tpu.wait_dma2 semaphore(%arg27 : memref<!tpu.dma_semaphore, #tpu.memory_space<semaphore_mem>>) src(%arg11 : memref<24x512xf32, #tpu.memory_space<vmem>>) dst(%dma_wait3A_84 : memref<24x512xf32, #tpu.memory_space<hbm>>)
    %dma_wait3A_85 = arith.constant 0 : i32
    %dma_wait3A_86 = tpu.memref_slice %arg4[%mul3A_2, %dma_wait3A_85] : memref<98304x512xf32, #tpu.memory_space<hbm>> -> memref<24x512xf32, #tpu.memory_space<hbm>>
    %dma_wait3A_87 = arith.constant 0 : i32
    %dma_wait3A_88 = tpu.memref_slice %arg4[%mul3A_2, %dma_wait3A_87] : memref<98304x512xf32, #tpu.memory_space<hbm>> -> memref<24x512xf32, #tpu.memory_space<hbm>>
    tpu.wait_dma2 semaphore(%arg28 : memref<!tpu.dma_semaphore, #tpu.memory_space<semaphore_mem>>) src(%arg12 : memref<24x512xf32, #tpu.memory_space<vmem>>) dst(%dma_wait3A_88 : memref<24x512xf32, #tpu.memory_space<hbm>>)
    %dma_wait3A_89 = arith.constant 0 : i32
    %dma_wait3A_90 = tpu.memref_slice %arg4[%mul3A_2, %dma_wait3A_89] : memref<98304x512xf32, #tpu.memory_space<hbm>> -> memref<24x512xf32, #tpu.memory_space<hbm>>
    %dma_wait3A_91 = arith.constant 0 : i32
    %dma_wait3A_92 = tpu.memref_slice %arg4[%mul3A_2, %dma_wait3A_91] : memref<98304x512xf32, #tpu.memory_space<hbm>> -> memref<24x512xf32, #tpu.memory_space<hbm>>
    tpu.wait_dma2 semaphore(%arg29 : memref<!tpu.dma_semaphore, #tpu.memory_space<semaphore_mem>>) src(%arg13 : memref<24x512xf32, #tpu.memory_space<vmem>>) dst(%dma_wait3A_92 : memref<24x512xf32, #tpu.memory_space<hbm>>)
    return
  }
}

</mosaic_0001>

<sc_bundles>
// kernel: kernel.3.cloned.1.call-start
scs
__scs_entry_jumppad:
0x0: {  	(pc) =	sbr.rel $0x88, $3  }
0x1: {  	(tag) =	ssettag $0x0;
	lr =	simm.s32 $0x1  }
0x2: {  	[smem:$0x3F9F] =	sst lr;
	_ =	strace $0xD0000000  }
0x3: {  	_ = 	snop  }
0x4: {  	_ = 	snop  }
0x5: {  	_ = 	snop  }
0x6: {  	_ = 	snop  }
0x7: {  	_ = 	snop  }
__scs_overlays_trampoline_lowered:
0x8: {  	[smem:$0x3FAE] =	sst s0  }
0x9: {  	[smem:$0x3FAF] =	sst s1  }
0xa: {  	[smem:$0x3FB0] =	sst s2  }
0xb: {  	[smem:$0x3FB1] =	sst s3  }
0xc: {  	[smem:$0x3FB2] =	sst s4  }
0xd: {  	[smem:$0x3FB3] =	sst s5  }
0xe: {  	[smem:$0x3FB4] =	sst s6  }
0xf: {  	[smem:$0x3FB5] =	sst s7  }
0x10: {  	[smem:$0x3FB6] =	sst s8  }
0x11: {  	[smem:$0x3FB7] =	sst s9;
	s0 =	simm.s32 @!p0 $0x0  }
0x12: {  	s1 =	sld [smem:$0x3F9D];
	s0 =	simm.s32 @p0 $0x1  }
0x13: {  	[smem:$0x3FB8] =	sst s0;
	s0 =	simm.s32 @!p1 $0x0  }
0x14: {  	s2 =	sld [smem:$0x3F9C];
	s0 =	simm.s32 @p1 $0x1  }
0x15: {  	[smem:$0x3FB9] =	sst s0;
	s0 =	simm.s32 @!p2 $0x0  }
0x16: {  	s3 =	sld [smem:$0x3FDB];
	s0 =	simm.s32 @p2 $0x1  }
0x17: {  	s4 =	simm.s32 $0x1BF5;
	[smem:$0x3FBB] =	sst s0  }
0x18: {  	s0 =	sld [smem:$0x3F9E];
	_ =	swait.ge [sflag:s4], $0x0  }
0x19: {  	s7 =	sld [smem:$0x3F9F]  }
0x1a: {  	s8 =	sadd.s32 $0xFFFFE003, lr  }
0x1b: {  	s9 =	sadd.s32 $0xFFFFFEF7, lr;
	s5 =	simm.s32 $0xFFFFFFFF;
	p2 =	slt.u32 s8, $0xFFFFF086  }
0x1c: {  	p1 =	slt.u32 s9, $0xF7A;
	s5 =	simm.s32 @!p2 $0x0  }
0x1d: {  	s5 =	simm.s32 @p1 $0x1;
	p0 =	seq.s32 s7, s2  }
0x1e: {  	s7 =	smul.u32 @!p0 $0xF7A, s2;
	p2 =	seq.s32 @!p0 s5, $0x0  }
0x1f: {  	s9 =	smul.u32 $0xF7A, s1;
	s8 =	simm.s32 @!p0 $0x1BF5;
	p2 =	por !p2, p0  }
0x20: {  	[sflag:s8] =	ssyncset.s32 @!p0 $0xFFFFF086;
	s6 =	sadd.s32 @!p0 s3, s7;
	s7 =	simm.s32 @!p0 $0x108  }
0x21: {  	s3 =	sadd.s32 s3, s9;
	s6 =	sadd.s32 @!p0 $0x88, s6;
	s7 =	simm.s32 @p2 $0x1082  }
0x22: {  	[simem:s7], [sflag:s8] =	dma.local @!p0 [hbm:s6], $0xF7A  }
0x23: {  	s9 =	sor.u32 $0xD0000000, s2;
	s6 =	simm.s32 $0x108;
	_ =	swait.ge @!p0 [sflag:s8], $0x0  }
0x24: {  	s3 =	sadd.s32 $0x88, s3;
	s6 =	simm.s32 @!p1 $0x1082;
	[sflag:s4] =	ssyncset.s32 $0xFFFFF086  }
0x25: {  	[simem:s6], [sflag:s4] =	dma.local [hbm:s3], $0xF7A  }
0x26: {  	[smem:$0x3F9F] =	sst s1;
	(tag) =	ssettag s2;
	_ =	strace s9  }
0x27: {  	s1 =	sld [smem:$0x3FAF]  }
0x28: {  	s2 =	sld [smem:$0x3FB0]  }
0x29: {  	s4 =	sld [smem:$0x3FB2]  }
0x2a: {  	p0 =	seq.s32 s5, $0x0;
	s5 =	sld [smem:$0x3FB3]  }
0x2b: {  	s6 =	sld [smem:$0x3FB4]  }
0x2c: {  	s7 =	sld [smem:$0x3FB5]  }
0x2d: {  	s3 =	simm.s32 $0x108;
	s8 =	sld [smem:$0x3FB6]  }
0x2e: {  	s3 =	simm.s32 @!p0 $0x1082;
	s9 =	sld [smem:$0x3FB7]  }
0x2f: {  	lr =	sadd.s32 s0, s3;
	s0 =	sld [smem:$0x3FAE]  }
0x30: {  	s3 =	sld [smem:$0x3FB1]  }
0x31: {  	[smem:$0x3FBA] =	sst s10  }
0x32: {  	s10 =	sld [smem:$0x3FB8];
	_ =	sdelay $0x3  }
0x33: {  	p0 =	seq.s32 s10, $0x1;
	s10 =	sld [smem:$0x3FBA];
	_ =	sdelay $0x3  }
0x34: {  	[smem:$0x3FBA] =	sst s10  }
0x35: {  	s10 =	sld [smem:$0x3FB9];
	_ =	sdelay $0x3  }
0x36: {  	p1 =	seq.s32 s10, $0x1;
	s10 =	sld [smem:$0x3FBA];
	_ =	sdelay $0x3  }
0x37: {  	[smem:$0x3FBA] =	sst s10  }
0x38: {  	s10 =	sld [smem:$0x3FBB]  }
0x39: {  	_ = 	snop;
	(pc) =	sbr.ind lr, $3  }
0x3a: {  	_ = 	snop  }
0x3b: {  	_ = 	snop  }
0x3c: {  	p2 =	seq.s32 s10, $0x1;
	s10 =	sld [smem:$0x3FBA]  }
0x3d: {  	_ =	shalt  }
0x3e: {  	_ =	shalt  }
0x3f: {  	_ =	shalt  }
0x40: {  	_ =	shalt  }
0x41: {  	_ =	shalt  }
0x42: {  	_ =	shalt  }
0x43: {  	_ =	shalt  }
0x44: {  	_ =	shalt  }
0x45: {  	_ =	shalt  }
0x46: {  	_ =	shalt  }
0x47: {  	_ =	shalt  }
0x48: {  	_ =	shalt  }
0x49: {  	_ =	shalt  }
0x4a: {  	_ =	shalt  }
0x4b: {  	_ =	shalt  }
0x4c: {  	_ =	shalt  }
0x4d: {  	_ =	shalt  }
0x4e: {  	_ =	shalt  }
0x4f: {  	_ =	shalt  }
0x50: {  	_ =	shalt  }
0x51: {  	_ =	shalt  }
0x52: {  	_ =	shalt  }
0x53: {  	_ =	shalt  }
0x54: {  	_ =	shalt  }
0x55: {  	_ =	shalt  }
0x56: {  	_ =	shalt  }
0x57: {  	_ =	shalt  }
0x58: {  	_ =	shalt  }
0x59: {  	_ =	shalt  }
0x5a: {  	_ =	shalt  }
0x5b: {  	_ =	shalt  }
0x5c: {  	_ =	shalt  }
0x5d: {  	_ =	shalt  }
0x5e: {  	_ =	shalt  }
0x5f: {  	_ =	shalt  }
0x60: {  	_ =	shalt  }
0x61: {  	_ =	shalt  }
0x62: {  	_ =	shalt  }
0x63: {  	_ =	shalt  }
0x64: {  	_ =	shalt  }
0x65: {  	_ =	shalt  }
0x66: {  	_ =	shalt  }
0x67: {  	_ =	shalt  }
0x68: {  	_ =	shalt  }
0x69: {  	_ =	shalt  }
0x6a: {  	_ =	shalt  }
0x6b: {  	_ =	shalt  }
0x6c: {  	_ =	shalt  }
0x6d: {  	_ =	shalt  }
0x6e: {  	_ =	shalt  }
0x6f: {  	_ =	shalt  }
0x70: {  	_ =	shalt  }
0x71: {  	_ =	shalt  }
0x72: {  	_ =	shalt  }
0x73: {  	_ =	shalt  }
0x74: {  	_ =	shalt  }
0x75: {  	_ =	shalt  }
0x76: {  	_ =	shalt  }
0x77: {  	_ =	shalt  }
0x78: {  	_ =	shalt  }
0x79: {  	_ =	shalt  }
0x7a: {  	_ =	shalt  }
0x7b: {  	_ =	shalt  }
0x7c: {  	_ =	shalt  }
0x7d: {  	_ =	shalt  }
0x7e: {  	_ =	shalt  }
0x7f: {  	_ =	shalt  }
0x80: {  	_ =	shalt  }
0x81: {  	_ =	shalt  }
0x82: {  	_ =	shalt  }
0x83: {  	_ =	shalt  }
0x84: {  	_ =	shalt  }
0x85: {  	_ =	shalt  }
0x86: {  	_ =	shalt  }
0x87: {  	_ =	shalt  }
.Lfunc_end0:
.L_simem_size_0:
called_computation.1_lowered:
.L_overlay_start_0:
0x88: {  	s2 =	sld [smem:$0x3FD9]  }
0x89: {  	s3 =	sld [smem:$0x3FFE];
	_ =	sdelay $0x1  }
0x8a: {  	s1 =	srdreg.scid  }
0x8b: {  	s0 =	sand.u32 $0x1, s1  }
0x8c: {  	s17 =	sshll.u32 s0, $0xA;
	s2 =	sadd.s32 s3, s2  }
0x8d: {  	s2 =	sadd.s32 s2, s17  }
0x8e: {  	[smem:$0x3FC6] =	sst s2  }
0x8f: {  	_ = 	snop  }
0x90: {  	s2 =	sld [smem:$0x3FC8]  }
0x91: {  	s18 =	sld [smem:$0x3FD0];
	(tm) =	ssettm $0x1  }
0x92: {  	s4 =	sld [smem:$0x3FFB];
	_ =	sdelay $0x3  }
0x93: {  	_ =	strace s4  }
0x94: {  	s4 =	sld [smem:$0x3FFC];
	_ =	sdelay $0x3  }
0x95: {  	_ =	strace s4  }
0x96: {  	s4 =	sld [smem:$0x3FFD];
	_ =	sdelay $0x3  }
0x97: {  	_ =	strace s4  }
0x98: {  	_ =	strace $0x8FFFFFFF  }
0x99: {  	s19 =	sld [smem:$0x3FDB];
	_ =	sdelay $0x1  }
0x9a: {  	s5 =	simm.s32 $_scs_section_size  }
0x9b: {  	s6 =	simm.s32 $_size__tile_overlayer_lowered;
	s7 =	simm.s32 $_tile_overlayer_lowered  }
0x9c: {  	s22 =	simm.s32 $0x1BFF;
	s21 =	sshll.u32 s7, $0x1;
	s4 =	sadd.s32 s5, s19  }
0x9d: {  	s8 =	simm.s32 $0x0;
	s20 =	sshll.u32 s6, $0x1;
	s6 =	sadd.s32 s21, s4  }
0x9e: {  	[timem:s8], [sflag:s22] =	dma.local [hbm:s6], s20  }
0x9f: {  	_ =	swait.ge [sflag:s22], s20  }
0xa0: {  	s5 =	ssub.s32 $0x0, s20;
	[sflag:s22] =	ssyncset.done $0x0  }
0xa1: {  	[sflag:s22] =	ssyncadd.s32 s5;
	_ =	sdelay $0x1  }
0xa2: {  	s23 =	simm.s32 $0x1B8B  }
0xa3: {  	_ =	swait.ge [sflag:s23], $0x1  }
0xa4: {  	[sflag:s23] =	ssyncset.done $0x0  }
0xa5: {  	s25 =	simm.s32 $0x1B8E;
	s24 =	sld [smem:$0x3FFE];
	[sflag:s23] =	ssyncadd.s32 $0xFFFFFFFF  }
0xa6: {  	s26 =	simm.s32 $execute0_lowered;
	[smem:$0x3FD2] =	sst s25  }
0xa7: {  	s6 =	sshll.u32 s26, $0x1;
	_ =	strace $0x80000046;
	[dreg:$0x1] =	wrdreg $0xFFFFFFFF  }
0xa8: {  	s28 =	simm.s32 $_size_execute0_lowered;
	s4 =	sadd.s32 s4, s6;
	[dreg:$0x0] =	wrdreg $0x0  }
0xa9: {  	s6 =	sshll.u32 s28, $0x1;
	[dreg:$0x2] =	wrdreg s4  }
0xaa: {  	[dreg:$0x3] =	wrdreg s6  }
0xab: {  	[dreg:$0x4] =	wrdreg $0xC0  }
0xac: {  	_ =	task [dreg:s8], $0x5FFFF  }
0xad: {  	[dreg:$0x1] =	wrdreg $0xFFFFFFFF  }
0xae: {  	[dreg:$0x0] =	wrdreg $0x60  }
0xaf: {  	[dreg:$0x2] =	wrdreg s2  }
0xb0: {  	[dreg:$0x3] =	wrdreg s18  }
0xb1: {  	[dreg:$0x4] =	wrdreg s24  }
0xb2: {  	[dreg:$0x5] =	wrdreg $0x9  }
0xb3: {  	_ =	task.clear_ibuf [dreg:s8], $0x6FFFF;
	_ =	strace $0x90000046  }
0xb4: {  	s29 =	simm.s32 $0x9;
	_ =	strace $0x80000048  }
0xb5: {  	_ =	swait.ge [sflag:s29], $0x1  }
0xb6: {  	[sflag:s29] =	ssyncadd.s32 $0xFFFFFFFF  }
0xb7: {  	_ =	strace $0x90000048  }
0xb8: {  	_ =	sfence  }
0xb9: {  	s30 =	sld [smem:$0x0];
	_ =	sdelay $0x2  }
0xba: {  	s31 =	sshll.u32 s1, $0xD;
	s1 =	sshrl.u32 s1, $0x2  }
0xbb: {  	s3 =	sand.u32 $0x4000, s31;
	s1 =	sadd.s32 s1, s30  }
0xbc: {  	s0 =	sor.u32 s3, s0;
	s1 =	sshll.u32 s1, $0x11  }
0xbd: {  	s0 =	sor.u32 s1, s0  }
0xbe: {  	s0 =	sadd.s32 $0x8F2B, s0  }
0xbf: {  	[sflag:s0] =	ssyncadd.remote.s32 $0x1  }
0xc0: {  	_ =	sfence.sel $0xFFFF  }
0xc1: {  	[dreg:$0x0] =	wrdreg $0xFFFFFFFF;
	(pc) =	sbr.abs _section_cstart, $3  }
0xc2: {  	[dreg:$0x1] =	wrdreg $0xFFFFFFFF  }
0xc3: {  	_ =	task.clear_ibuf [dreg:s8], $0x2FFFF;
	_ =	strace $0x9FFFFFFF  }
0xc4: {  	(tm) =	ssettm $0x7FFFFFFF  }
0xc5: {  	_ =	shalt  }
tec
execute0_lowered:
.L_overlay_start_1:
0x0: {  	(tag) =	ssettag $0x1  }
0x1: {  	s1 =	rddreg [dreg:$0x0]  }
0x2: {  	s0 =	rddreg [dreg:$0x1]  }
0x3: {  	s2 =	rddreg [dreg:$0x2]  }
0x4: {  	s3 =	simm.s32 $0x0;
	s4 =	srdreg.scid;
	s8 =	stileid.u32  }
0x5: {  	s19 =	simm.s32 $0x7000;
	s14 =	simm.s32 $0x10000;
	s29 =	simm.s32 $0x16000  }
0x6: {  	s10 =	simm.s32 $0x19000;
	s20 =	simm.s32 $0x1;
	s28 =	simm.s32 $0x6  }
0x7: {  	s9 =	simm.s32 $0x9;
	s30 =	simm.s32 $0xA;
	s31 =	simm.s32 $0xB  }
0x8: {  	s12 =	simm.s32 $0xF;
	s15 =	simm.s32 $0x10;
	s16 =	simm.s32 $0x0  }
0x9: {  	[smem:$0x7FF] =	sst s3;
	s4 =	sand.u32 $0x1, s4;
	s6 =	sshll.u32 s8, $0x1  }
0xa: {  	s2 =	sadd.s32 $0x800, s2;
	s22 =	smul.u32 $0x60000, s8;
	s8 =	simm.s32 $0x8  }
0xb: {  	_ =	strace $0x80000047;
	s5 =	ssub.s32 $0x2, s4;
	s6 =	sor.u32 s4, s6  }
0xc: {  	s4 =	smul.u32 $0x30000, s4;
	s7 =	sshrl.u32 s5, $0x1;
	s21 =	sshll.u32 s6, $0xB  }
0xd: {  	s6 =	smul.u32 $0x30000, s6;
	s7 =	ssub.s32 s5, s7;
	s0 =	sadd.s32 s0, s21  }
0xe: {  	s5 =	sadd.s32 $0x100, s1;
	s21 =	simm.s32 $0x13000;
	[dreg:$0x4] =	wrdreg s0  }
0xf: {  	s7 =	smax.u32 s7, $0x1;
	s6 =	sadd.s32 s2, s6;
	s0 =	sadd.s32 s22, s2  }
0x10: {  	s22 =	simm.s32 $0x2;
	s2 =	simm.s32 $0xC;
	[dreg:$0x5] =	wrdreg s7  }
0x11: {  	s23 =	sadd.s32 $0x2D600, s6;
	s24 =	sadd.s32 $0x2E200, s6;
	s25 =	sadd.s32 $0x2EE00, s6  }
.Ltmp0:
0x12: {  	s26 =	sadd.s32 $0x2FA00, s6;
	[dreg:$0x6] =	wrdreg s23;
	(pc) =	sbr.rel .LBB2_1-.Ltmp0, $4  }
0x13: {  	s11 =	sadd.s32 s4, s0;
	s0 =	simm.s32 $0xD000;
	[dreg:$0x7] =	wrdreg s24  }
0x14: {  	v2 =	vlaneseq.u32;
	s7 =	simm.s32 $0x7;
	s4 =	simm.s32 $0xD;
	[dreg:$0x8] =	wrdreg s25  }
0x15: {  	vm0 =	vmmov $0xffff;
	v1 =	vshrl.u32 v2, $0x3;
	s6 =	simm.s32 $0xE;
	[dreg:$0x9] =	wrdreg s26;
	s25 =	simm.s32 $0xA000  }
0x16: {  	v0 =	vand.u32 $0x7, v2;
	v2 =	vor.u32 $0x8, v2;
	v1 =	vmul.u32 $0x8, v1;
	s23 =	simm.s32 $0x3;
	s24 =	simm.s32 $0x4;
	s26 =	simm.s32 $0x5  }
.LBB2_13:
0x17: {  	_ =	swait.ge [sflag:s8], $0x3000  }
0x18: {  	[sflag:s8] =	ssyncset.done $0x0  }
0x19: {  	s13 =	rddreg [dreg:$0x9];
	[sflag:s8] =	ssyncadd.s32 $0xFFFFD000  }
0x1a: {  	[hbm4b:s13+s3] =	stream.linear.scatter [tilespmem:s10], [sflag:$0x10], $0x3000, $0x38;
	[tilespmem:$0x1C000] =	vst v63  }
0x1b: {  	_ =	swait.ge [sflag:s9], $0x3000  }
0x1c: {  	[sflag:s9] =	ssyncset.done $0x0  }
0x1d: {  	[sflag:s9] =	ssyncadd.s32 $0xFFFFD000  }
0x1e: {  	_ =	swait.ge [sflag:s30], $0x3000  }
0x1f: {  	[sflag:s30] =	ssyncset.done $0x0  }
0x20: {  	[sflag:s30] =	ssyncadd.s32 $0xFFFFD000  }
0x21: {  	_ =	swait.ge [sflag:s31], $0x3000  }
0x22: {  	[sflag:s31] =	ssyncset.done $0x0  }
0x23: {  	[sflag:s31] =	ssyncadd.s32 $0xFFFFD000  }
0x24: {  	_ =	swait.ge [sflag:s2], $0x3000  }
0x25: {  	[sflag:s2] =	ssyncset.done $0x0  }
0x26: {  	[sflag:s2] =	ssyncadd.s32 $0xFFFFD000  }
0x27: {  	_ =	swait.ge [sflag:s4], $0x3000  }
0x28: {  	[sflag:s4] =	ssyncset.done $0x0  }
0x29: {  	[sflag:s4] =	ssyncadd.s32 $0xFFFFD000  }
0x2a: {  	_ =	swait.ge [sflag:s6], $0x3000  }
0x2b: {  	[sflag:s6] =	ssyncset.done $0x0  }
0x2c: {  	[sflag:s6] =	ssyncadd.s32 $0xFFFFD000  }
0x2d: {  	_ =	swait.ge [sflag:s12], $0x3000  }
0x2e: {  	[sflag:s12] =	ssyncset.done $0x0  }
0x2f: {  	[sflag:s12] =	ssyncadd.s32 $0xFFFFD000  }
0x30: {  	_ =	swait.ge [sflag:s15], $0x3000  }
0x31: {  	s16 =	rddreg [dreg:$0xa]  }
0x32: {  	s18 =	rddreg [dreg:$0x5];
	s16 =	sadd.s32 $0x1, s16  }
0x33: {  	p0 =	sne.s32 s16, s18  }
.Ltmp1:
0x34: {  	_ = 	snop;
	(pc) =	sbr.rel @!p0 .LBB2_14-.Ltmp1, $3  }
0x35: {  	_ =	sdelay $0x1  }
0x36: {  	[sflag:s15] =	ssyncset.done $0x0  }
0x37: {  	[sflag:s15] =	ssyncadd.s32 $0xFFFFD000  }
.LBB2_1:
0x38: {  	[dreg:$0xa] =	wrdreg s16  }
0x39: {  	s13 =	rddreg [dreg:$0x4];
	s16 =	simm.s32 $0x11  }
0x3a: {  	[tilespmem:s3], [sflag:$0x11] =	stream.linear.gather [hbm4b:s13+s3], $0x4000, $0x38;
	[tilespmem:$0x1C000] =	vst v63  }
0x3b: {  	_ =	swait.ge [sflag:s16], $0x4000  }
0x3c: {  	[sflag:s16] =	ssyncset.done $0x0  }
0x3d: {  	[sflag:s16] =	ssyncadd.s32 $0xFFFFC000  }
0x3e: {  	v3 =	vld [tilespmem:$0x0];
	_ =	sdelay $0x4  }
0x3f: {  	v4 =	vshll.u32 v3, $0x2  }
0x40: {  	v3 =	vand.u32 $0x7, v3;
	v4 =	vand.u32 $0xFFFFFFE0, v4  }
0x41: {  	v3 =	vor.u32 v3, v4  }
0x42: {  	v4 =	vperm.xlane v3, v0;
	_ =	sdelay $0x1  }
0x43: {  	v4 =	vadd.s32 v1, v4;
	_ =	sdelay $0x1  }
0x44: {  	v3 =	vperm.xlane v3, v2;
	_ =	sdelay $0x1  }
0x45: {  	s13 =	simm.s32 $0x4000;
	v3 =	vadd.s32 v1, v3  }
0x46: {  	[tilespmem:s13], [sflag:$0x1] =	stream.indirect_vreg.gather [hbm4b:s1+s3], $0x80, v4, vm0, $0xb8;
	[tilespmem:$0x1C000] =	vst v63  }
0x47: {  	s17 =	simm.s32 $0x4800  }
0x48: {  	[tilespmem:s17], [sflag:$0x1] =	stream.indirect_vreg.gather [hbm4b:s5+s3], $0x80, v4, vm0, $0xb8;
	[tilespmem:$0x1C000] =	vst v63  }
0x49: {  	s18 =	simm.s32 $0x5000  }
0x4a: {  	[tilespmem:s18], [sflag:$0x1] =	stream.indirect_vreg.gather [hbm4b:s1+s3], $0x80, v3, vm0, $0xb8;
	[tilespmem:$0x1C000] =	vst v63  }
0x4b: {  	s17 =	simm.s32 $0x5800  }
0x4c: {  	[tilespmem:s17], [sflag:$0x1] =	stream.indirect_vreg.gather [hbm4b:s5+s3], $0x80, v3, vm0, $0xb8;
	[tilespmem:$0x1C000] =	vst v63  }
0x4d: {  	v3 =	vld.msk [tilespmem:$0x10], $0xff;
	_ =	sdelay $0x4  }
0x4e: {  	v49 =	vshll.u32 v3, $0x2  }
0x4f: {  	v3 =	vand.u32 $0x7, v3;
	v4 =	vand.u32 $0xFFFFFFE0, v49  }
0x50: {  	v3 =	vor.u32 v3, v4  }
0x51: {  	v3 =	vperm.xlane v3, v0;
	_ =	sdelay $0x1  }
0x52: {  	v3 =	vadd.s32 v1, v3;
	_ =	sdelay $0x3  }
0x53: {  	s18 =	simm.s32 $0x6000  }
0x54: {  	[tilespmem:s18], [sflag:$0x1] =	stream.indirect_vreg.gather [hbm4b:s1+s3], $0x80, v3, vm0, $0xb8;
	[tilespmem:$0x1C000] =	vst v63  }
0x55: {  	s17 =	simm.s32 $0x6800  }
0x56: {  	[tilespmem:s17], [sflag:$0x1] =	stream.indirect_vreg.gather [hbm4b:s5+s3], $0x80, v3, vm0, $0xb8;
	[tilespmem:$0x1C000] =	vst v63  }
0x57: {  	v3 =	vld [tilespmem:$0x80];
	_ =	sdelay $0x4  }
0x58: {  	v50 =	vshll.u32 v3, $0x2  }
0x59: {  	v3 =	vand.u32 $0x7, v3;
	v4 =	vand.u32 $0xFFFFFFE0, v50  }
0x5a: {  	v3 =	vor.u32 v3, v4  }
0x5b: {  	v4 =	vperm.xlane v3, v0;
	_ =	sdelay $0x1  }
0x5c: {  	v4 =	vadd.s32 v1, v4;
	_ =	sdelay $0x1  }
0x5d: {  	v3 =	vperm.xlane v3, v2;
	_ =	sdelay $0x1  }
0x5e: {  	v3 =	vadd.s32 v1, v3  }
0x5f: {  	[tilespmem:s19], [sflag:$0x2] =	stream.indirect_vreg.gather [hbm4b:s1+s3], $0x80, v4, vm0, $0xb8;
	[tilespmem:$0x1C000] =	vst v63  }
0x60: {  	s18 =	simm.s32 $0x7800  }
0x61: {  	[tilespmem:s18], [sflag:$0x2] =	stream.indirect_vreg.gather [hbm4b:s5+s3], $0x80, v4, vm0, $0xb8;
	[tilespmem:$0x1C000] =	vst v63  }
0x62: {  	s17 =	simm.s32 $0x8000  }
0x63: {  	[tilespmem:s17], [sflag:$0x2] =	stream.indirect_vreg.gather [hbm4b:s1+s3], $0x80, v3, vm0, $0xb8;
	[tilespmem:$0x1C000] =	vst v63  }
0x64: {  	s18 =	simm.s32 $0x8800  }
0x65: {  	[tilespmem:s18], [sflag:$0x2] =	stream.indirect_vreg.gather [hbm4b:s5+s3], $0x80, v3, vm0, $0xb8;
	[tilespmem:$0x1C000] =	vst v63  }
0x66: {  	v3 =	vld.msk [tilespmem:$0x90], $0xff;
	_ =	sdelay $0x4  }
0x67: {  	v51 =	vshll.u32 v3, $0x2  }
0x68: {  	v3 =	vand.u32 $0x7, v3;
	v4 =	vand.u32 $0xFFFFFFE0, v51  }
0x69: {  	v3 =	vor.u32 v3, v4  }
0x6a: {  	v3 =	vperm.xlane v3, v0;
	_ =	sdelay $0x1  }
0x6b: {  	v3 =	vadd.s32 v1, v3;
	_ =	sdelay $0x3  }
0x6c: {  	s17 =	simm.s32 $0x9000  }
0x6d: {  	[tilespmem:s17], [sflag:$0x2] =	stream.indirect_vreg.gather [hbm4b:s1+s3], $0x80, v3, vm0, $0xb8;
	[tilespmem:$0x1C000] =	vst v63  }
0x6e: {  	s18 =	simm.s32 $0x9800  }
0x6f: {  	[tilespmem:s18], [sflag:$0x2] =	stream.indirect_vreg.gather [hbm4b:s5+s3], $0x80, v3, vm0, $0xb8;
	[tilespmem:$0x1C000] =	vst v63  }
0x70: {  	v3 =	vld [tilespmem:$0x100];
	_ =	sdelay $0x4  }
0x71: {  	v52 =	vshll.u32 v3, $0x2  }
0x72: {  	v3 =	vand.u32 $0x7, v3;
	v4 =	vand.u32 $0xFFFFFFE0, v52  }
0x73: {  	v3 =	vor.u32 v3, v4  }
0x74: {  	v4 =	vperm.xlane v3, v0;
	_ =	sdelay $0x1  }
0x75: {  	v4 =	vadd.s32 v1, v4;
	_ =	sdelay $0x1  }
0x76: {  	v3 =	vperm.xlane v3, v2;
	_ =	sdelay $0x1  }
0x77: {  	v3 =	vadd.s32 v1, v3  }
0x78: {  	[tilespmem:s25], [sflag:$0x3] =	stream.indirect_vreg.gather [hbm4b:s1+s3], $0x80, v4, vm0, $0xb8;
	[tilespmem:$0x1C000] =	vst v63  }
0x79: {  	s17 =	simm.s32 $0xA800  }
0x7a: {  	[tilespmem:s17], [sflag:$0x3] =	stream.indirect_vreg.gather [hbm4b:s5+s3], $0x80, v4, vm0, $0xb8;
	[tilespmem:$0x1C000] =	vst v63  }
0x7b: {  	s18 =	simm.s32 $0xB000  }
0x7c: {  	[tilespmem:s18], [sflag:$0x3] =	stream.indirect_vreg.gather [hbm4b:s1+s3], $0x80, v3, vm0, $0xb8;
	[tilespmem:$0x1C000] =	vst v63  }
0x7d: {  	s17 =	simm.s32 $0xB800  }
0x7e: {  	[tilespmem:s17], [sflag:$0x3] =	stream.indirect_vreg.gather [hbm4b:s5+s3], $0x80, v3, vm0, $0xb8;
	[tilespmem:$0x1C000] =	vst v63  }
0x7f: {  	v3 =	vld.msk [tilespmem:$0x110], $0xff;
	_ =	sdelay $0x4  }
0x80: {  	v53 =	vshll.u32 v3, $0x2  }
0x81: {  	v3 =	vand.u32 $0x7, v3;
	v4 =	vand.u32 $0xFFFFFFE0, v53  }
0x82: {  	v3 =	vor.u32 v3, v4  }
0x83: {  	v3 =	vperm.xlane v3, v0;
	_ =	sdelay $0x1  }
0x84: {  	v3 =	vadd.s32 v1, v3;
	_ =	sdelay $0x3  }
0x85: {  	s18 =	simm.s32 $0xC000  }
0x86: {  	[tilespmem:s18], [sflag:$0x3] =	stream.indirect_vreg.gather [hbm4b:s1+s3], $0x80, v3, vm0, $0xb8;
	[tilespmem:$0x1C000] =	vst v63  }
0x87: {  	s17 =	simm.s32 $0xC800  }
0x88: {  	[tilespmem:s17], [sflag:$0x3] =	stream.indirect_vreg.gather [hbm4b:s5+s3], $0x80, v3, vm0, $0xb8;
	[tilespmem:$0x1C000] =	vst v63  }
0x89: {  	v3 =	vld [tilespmem:$0x180];
	_ =	sdelay $0x4  }
0x8a: {  	v54 =	vshll.u32 v3, $0x2  }
0x8b: {  	v3 =	vand.u32 $0x7, v3;
	v4 =	vand.u32 $0xFFFFFFE0, v54  }
0x8c: {  	v3 =	vor.u32 v3, v4  }
0x8d: {  	v4 =	vperm.xlane v3, v0;
	_ =	sdelay $0x1  }
0x8e: {  	v4 =	vadd.s32 v1, v4;
	_ =	sdelay $0x1  }
0x8f: {  	v3 =	vperm.xlane v3, v2;
	_ =	sdelay $0x1  }
0x90: {  	v3 =	vadd.s32 v1, v3  }
0x91: {  	[tilespmem:s0], [sflag:$0x4] =	stream.indirect_vreg.gather [hbm4b:s1+s3], $0x80, v4, vm0, $0xb8;
	[tilespmem:$0x1C000] =	vst v63  }
0x92: {  	s18 =	simm.s32 $0xD800  }
0x93: {  	[tilespmem:s18], [sflag:$0x4] =	stream.indirect_vreg.gather [hbm4b:s5+s3], $0x80, v4, vm0, $0xb8;
	[tilespmem:$0x1C000] =	vst v63  }
0x94: {  	s17 =	simm.s32 $0xE000  }
0x95: {  	[tilespmem:s17], [sflag:$0x4] =	stream.indirect_vreg.gather [hbm4b:s1+s3], $0x80, v3, vm0, $0xb8;
	[tilespmem:$0x1C000] =	vst v63  }
0x96: {  	s18 =	simm.s32 $0xE800  }
0x97: {  	[tilespmem:s18], [sflag:$0x4] =	stream.indirect_vreg.gather [hbm4b:s5+s3], $0x80, v3, vm0, $0xb8;
	[tilespmem:$0x1C000] =	vst v63  }
0x98: {  	v3 =	vld.msk [tilespmem:$0x190], $0xff;
	_ =	sdelay $0x4  }
0x99: {  	v55 =	vshll.u32 v3, $0x2  }
0x9a: {  	v3 =	vand.u32 $0x7, v3;
	v4 =	vand.u32 $0xFFFFFFE0, v55  }
0x9b: {  	v3 =	vor.u32 v3, v4  }
0x9c: {  	v3 =	vperm.xlane v3, v0;
	_ =	sdelay $0x1  }
0x9d: {  	v3 =	vadd.s32 v1, v3;
	_ =	sdelay $0x3  }
0x9e: {  	s17 =	simm.s32 $0xF000  }
0x9f: {  	[tilespmem:s17], [sflag:$0x4] =	stream.indirect_vreg.gather [hbm4b:s1+s3], $0x80, v3, vm0, $0xb8;
	[tilespmem:$0x1C000] =	vst v63  }
0xa0: {  	s18 =	simm.s32 $0xF800  }
0xa1: {  	[tilespmem:s18], [sflag:$0x4] =	stream.indirect_vreg.gather [hbm4b:s5+s3], $0x80, v3, vm0, $0xb8;
	[tilespmem:$0x1C000] =	vst v63  }
0xa2: {  	v3 =	vld [tilespmem:$0x200];
	_ =	sdelay $0x4  }
0xa3: {  	v56 =	vshll.u32 v3, $0x2  }
0xa4: {  	v3 =	vand.u32 $0x7, v3;
	v4 =	vand.u32 $0xFFFFFFE0, v56  }
0xa5: {  	v3 =	vor.u32 v3, v4  }
0xa6: {  	v4 =	vperm.xlane v3, v0;
	_ =	sdelay $0x1  }
0xa7: {  	v4 =	vadd.s32 v1, v4;
	_ =	sdelay $0x1  }
0xa8: {  	v3 =	vperm.xlane v3, v2;
	_ =	sdelay $0x1  }
0xa9: {  	v3 =	vadd.s32 v1, v3  }
0xaa: {  	[tilespmem:s14], [sflag:$0x5] =	stream.indirect_vreg.gather [hbm4b:s1+s3], $0x80, v4, vm0, $0xb8;
	[tilespmem:$0x1C000] =	vst v63  }
0xab: {  	s17 =	simm.s32 $0x10800  }
0xac: {  	[tilespmem:s17], [sflag:$0x5] =	stream.indirect_vreg.gather [hbm4b:s5+s3], $0x80, v4, vm0, $0xb8;
	[tilespmem:$0x1C000] =	vst v63  }
0xad: {  	s18 =	simm.s32 $0x11000  }
0xae: {  	[tilespmem:s18], [sflag:$0x5] =	stream.indirect_vreg.gather [hbm4b:s1+s3], $0x80, v3, vm0, $0xb8;
	[tilespmem:$0x1C000] =	vst v63  }
0xaf: {  	s17 =	simm.s32 $0x11800  }
0xb0: {  	[tilespmem:s17], [sflag:$0x5] =	stream.indirect_vreg.gather [hbm4b:s5+s3], $0x80, v3, vm0, $0xb8;
	[tilespmem:$0x1C000] =	vst v63  }
0xb1: {  	v3 =	vld.msk [tilespmem:$0x210], $0xff;
	_ =	sdelay $0x4  }
0xb2: {  	v57 =	vshll.u32 v3, $0x2  }
0xb3: {  	v3 =	vand.u32 $0x7, v3;
	v4 =	vand.u32 $0xFFFFFFE0, v57  }
0xb4: {  	v3 =	vor.u32 v3, v4  }
0xb5: {  	v3 =	vperm.xlane v3, v0;
	_ =	sdelay $0x1  }
0xb6: {  	v3 =	vadd.s32 v1, v3;
	_ =	sdelay $0x3  }
0xb7: {  	s18 =	simm.s32 $0x12000  }
0xb8: {  	[tilespmem:s18], [sflag:$0x5] =	stream.indirect_vreg.gather [hbm4b:s1+s3], $0x80, v3, vm0, $0xb8;
	[tilespmem:$0x1C000] =	vst v63  }
0xb9: {  	s17 =	simm.s32 $0x12800  }
0xba: {  	[tilespmem:s17], [sflag:$0x5] =	stream.indirect_vreg.gather [hbm4b:s5+s3], $0x80, v3, vm0, $0xb8;
	[tilespmem:$0x1C000] =	vst v63  }
0xbb: {  	v3 =	vld [tilespmem:$0x280];
	_ =	sdelay $0x4  }
0xbc: {  	v58 =	vshll.u32 v3, $0x2  }
0xbd: {  	v3 =	vand.u32 $0x7, v3;
	v4 =	vand.u32 $0xFFFFFFE0, v58  }
0xbe: {  	v3 =	vor.u32 v3, v4  }
0xbf: {  	v4 =	vperm.xlane v3, v0;
	_ =	sdelay $0x1  }
0xc0: {  	v4 =	vadd.s32 v1, v4;
	_ =	sdelay $0x1  }
0xc1: {  	v3 =	vperm.xlane v3, v2;
	_ =	sdelay $0x1  }
0xc2: {  	v3 =	vadd.s32 v1, v3  }
0xc3: {  	[tilespmem:s21], [sflag:$0x6] =	stream.indirect_vreg.gather [hbm4b:s1+s3], $0x80, v4, vm0, $0xb8;
	[tilespmem:$0x1C000] =	vst v63  }
0xc4: {  	s18 =	simm.s32 $0x13800  }
0xc5: {  	[tilespmem:s18], [sflag:$0x6] =	stream.indirect_vreg.gather [hbm4b:s5+s3], $0x80, v4, vm0, $0xb8;
	[tilespmem:$0x1C000] =	vst v63  }
0xc6: {  	s17 =	simm.s32 $0x14000  }
0xc7: {  	[tilespmem:s17], [sflag:$0x6] =	stream.indirect_vreg.gather [hbm4b:s1+s3], $0x80, v3, vm0, $0xb8;
	[tilespmem:$0x1C000] =	vst v63  }
0xc8: {  	s18 =	simm.s32 $0x14800  }
0xc9: {  	[tilespmem:s18], [sflag:$0x6] =	stream.indirect_vreg.gather [hbm4b:s5+s3], $0x80, v3, vm0, $0xb8;
	[tilespmem:$0x1C000] =	vst v63  }
0xca: {  	v3 =	vld.msk [tilespmem:$0x290], $0xff;
	_ =	sdelay $0x4  }
0xcb: {  	v59 =	vshll.u32 v3, $0x2  }
0xcc: {  	v3 =	vand.u32 $0x7, v3;
	v4 =	vand.u32 $0xFFFFFFE0, v59  }
0xcd: {  	v3 =	vor.u32 v3, v4  }
0xce: {  	v3 =	vperm.xlane v3, v0;
	_ =	sdelay $0x1  }
0xcf: {  	v3 =	vadd.s32 v1, v3;
	_ =	sdelay $0x3  }
0xd0: {  	s17 =	simm.s32 $0x15000  }
0xd1: {  	[tilespmem:s17], [sflag:$0x6] =	stream.indirect_vreg.gather [hbm4b:s1+s3], $0x80, v3, vm0, $0xb8;
	[tilespmem:$0x1C000] =	vst v63  }
0xd2: {  	s18 =	simm.s32 $0x15800  }
0xd3: {  	[tilespmem:s18], [sflag:$0x6] =	stream.indirect_vreg.gather [hbm4b:s5+s3], $0x80, v3, vm0, $0xb8;
	[tilespmem:$0x1C000] =	vst v63  }
0xd4: {  	v3 =	vld [tilespmem:$0x300];
	_ =	sdelay $0x4  }
0xd5: {  	v60 =	vshll.u32 v3, $0x2  }
0xd6: {  	v3 =	vand.u32 $0x7, v3;
	v4 =	vand.u32 $0xFFFFFFE0, v60  }
0xd7: {  	v3 =	vor.u32 v3, v4  }
0xd8: {  	v4 =	vperm.xlane v3, v0;
	_ =	sdelay $0x1  }
0xd9: {  	v4 =	vadd.s32 v1, v4;
	_ =	sdelay $0x1  }
0xda: {  	v3 =	vperm.xlane v3, v2;
	_ =	sdelay $0x1  }
0xdb: {  	v3 =	vadd.s32 v1, v3  }
0xdc: {  	[tilespmem:s29], [sflag:$0x7] =	stream.indirect_vreg.gather [hbm4b:s1+s3], $0x80, v4, vm0, $0xb8;
	[tilespmem:$0x1C000] =	vst v63  }
0xdd: {  	s17 =	simm.s32 $0x16800  }
0xde: {  	[tilespmem:s17], [sflag:$0x7] =	stream.indirect_vreg.gather [hbm4b:s5+s3], $0x80, v4, vm0, $0xb8;
	[tilespmem:$0x1C000] =	vst v63  }
0xdf: {  	s18 =	simm.s32 $0x17000  }
0xe0: {  	[tilespmem:s18], [sflag:$0x7] =	stream.indirect_vreg.gather [hbm4b:s1+s3], $0x80, v3, vm0, $0xb8;
	[tilespmem:$0x1C000] =	vst v63  }
0xe1: {  	s17 =	simm.s32 $0x17800  }
0xe2: {  	[tilespmem:s17], [sflag:$0x7] =	stream.indirect_vreg.gather [hbm4b:s5+s3], $0x80, v3, vm0, $0xb8;
	[tilespmem:$0x1C000] =	vst v63  }
0xe3: {  	v3 =	vld.msk [tilespmem:$0x310], $0xff;
	_ =	sdelay $0x4  }
0xe4: {  	v61 =	vshll.u32 v3, $0x2  }
0xe5: {  	v3 =	vand.u32 $0x7, v3;
	v4 =	vand.u32 $0xFFFFFFE0, v61  }
0xe6: {  	v3 =	vor.u32 v3, v4  }
0xe7: {  	v3 =	vperm.xlane v3, v0;
	_ =	sdelay $0x1  }
0xe8: {  	v3 =	vadd.s32 v1, v3;
	_ =	sdelay $0x3  }
0xe9: {  	s18 =	simm.s32 $0x18000  }
0xea: {  	[tilespmem:s18], [sflag:$0x7] =	stream.indirect_vreg.gather [hbm4b:s1+s3], $0x80, v3, vm0, $0xb8;
	[tilespmem:$0x1C000] =	vst v63  }
0xeb: {  	s17 =	simm.s32 $0x18800  }
0xec: {  	[tilespmem:s17], [sflag:$0x7] =	stream.indirect_vreg.gather [hbm4b:s5+s3], $0x80, v3, vm0, $0xb8;
	[tilespmem:$0x1C000] =	vst v63  }
0xed: {  	v3 =	vld [tilespmem:$0x380];
	_ =	sdelay $0x4  }
0xee: {  	v62 =	vshll.u32 v3, $0x2  }
0xef: {  	v3 =	vand.u32 $0x7, v3;
	v4 =	vand.u32 $0xFFFFFFE0, v62  }
0xf0: {  	v3 =	vor.u32 v3, v4  }
0xf1: {  	v4 =	vperm.xlane v3, v0;
	_ =	sdelay $0x1  }
0xf2: {  	v4 =	vadd.s32 v1, v4;
	_ =	sdelay $0x1  }
0xf3: {  	v3 =	vperm.xlane v3, v2;
	_ =	sdelay $0x1  }
0xf4: {  	v3 =	vadd.s32 v1, v3  }
0xf5: {  	[tilespmem:s10], [sflag:$0x8] =	stream.indirect_vreg.gather [hbm4b:s1+s3], $0x80, v4, vm0, $0xb8;
	[tilespmem:$0x1C000] =	vst v63  }
0xf6: {  	s18 =	simm.s32 $0x19800  }
0xf7: {  	[tilespmem:s18], [sflag:$0x8] =	stream.indirect_vreg.gather [hbm4b:s5+s3], $0x80, v4, vm0, $0xb8;
	[tilespmem:$0x1C000] =	vst v63  }
0xf8: {  	s17 =	simm.s32 $0x1A000  }
0xf9: {  	[tilespmem:s17], [sflag:$0x8] =	stream.indirect_vreg.gather [hbm4b:s1+s3], $0x80, v3, vm0, $0xb8;
	[tilespmem:$0x1C000] =	vst v63  }
0xfa: {  	s18 =	simm.s32 $0x1A800  }
0xfb: {  	[tilespmem:s18], [sflag:$0x8] =	stream.indirect_vreg.gather [hbm4b:s5+s3], $0x80, v3, vm0, $0xb8;
	[tilespmem:$0x1C000] =	vst v63  }
0xfc: {  	v3 =	vld.msk [tilespmem:$0x390], $0xff;
	_ =	sdelay $0x4  }
0xfd: {  	v63 =	vshll.u32 v3, $0x2  }
0xfe: {  	v3 =	vand.u32 $0x7, v3;
	v4 =	vand.u32 $0xFFFFFFE0, v63  }
0xff: {  	v3 =	vor.u32 v3, v4  }
0x100: {  	v3 =	vperm.xlane v3, v0;
	_ =	sdelay $0x1  }
0x101: {  	v3 =	vadd.s32 v1, v3;
	_ =	sdelay $0x3  }
0x102: {  	s17 =	simm.s32 $0x1B000  }
0x103: {  	[tilespmem:s17], [sflag:$0x8] =	stream.indirect_vreg.gather [hbm4b:s1+s3], $0x80, v3, vm0, $0xb8;
	[tilespmem:$0x1C000] =	vst v63  }
0x104: {  	s16 =	simm.s32 $0x790;
	s18 =	simm.s32 $0x1B800;
	s17 =	simm.s32 $0x0  }
0x105: {  	[tilespmem:s18], [sflag:$0x8] =	stream.indirect_vreg.gather [hbm4b:s5+s3], $0x80, v3, vm0, $0xb8;
	[tilespmem:$0x1C000] =	vst v63  }
.LBB2_2:
0x106: {  	p0 =	seq.s32 s17, $0x2D000  }
.Ltmp2:
0x107: {  	_ = 	snop;
	(pc) =	sbr.rel @!p0 .LBB2_3-.Ltmp2, $4  }
0x108: {  	_ =	swait.ge [sflag:s20], $0x3000  }
0x109: {  	[sflag:s20] =	ssyncset.done $0x0  }
0x10a: {  	s18 =	sadd.s32 s17, s11;
	[sflag:s20] =	ssyncadd.s32 $0xFFFFD000  }
0x10b: {  	[hbm4b:s18+s3] =	stream.linear.scatter [tilespmem:s13], [sflag:$0x9], $0x3000, $0x38;
	[tilespmem:$0x1C000] =	vst v63  }
.Ltmp3:
0x10c: {  	(pc) =	sbr.rel .LBB2_5-.Ltmp3, $4  }
0x10d: {  	_ =	swait.ge [sflag:s22], $0x3000  }
0x10e: {  	[sflag:s22] =	ssyncset.done $0x0  }
0x10f: {  	s13 =	rddreg [dreg:$0x6];
	[sflag:s22] =	ssyncadd.s32 $0xFFFFD000  }
0x110: {  	[hbm4b:s13+s3] =	stream.linear.scatter [tilespmem:s19], [sflag:$0xA], $0x3000, $0x38;
	[tilespmem:$0x1C000] =	vst v63  }
.LBB2_3:
0x111: {  	_ =	swait.ge [sflag:s9], $0x3000  }
0x112: {  	[sflag:s9] =	ssyncset.done $0x0  }
0x113: {  	[sflag:s9] =	ssyncadd.s32 $0xFFFFD000  }
0x114: {  	v3 =	vld [tilespmem:s16+$0xFFFFFC70];
	_ =	sdelay $0x4  }
0x115: {  	v4 =	vshll.u32 v3, $0x2  }
0x116: {  	v3 =	vand.u32 $0x7, v3;
	v4 =	vand.u32 $0xFFFFFFE0, v4  }
0x117: {  	v3 =	vor.u32 v3, v4  }
0x118: {  	v4 =	vperm.xlane v3, v0;
	_ =	sdelay $0x1  }
0x119: {  	v4 =	vadd.s32 v1, v4;
	_ =	sdelay $0x1  }
0x11a: {  	v3 =	vperm.xlane v3, v2;
	_ =	sdelay $0x1  }
0x11b: {  	v3 =	vadd.s32 v1, v3  }
0x11c: {  	[tilespmem:s13], [sflag:$0x1] =	stream.indirect_vreg.gather [hbm4b:s1+s3], $0x80, v4, vm0, $0xb8;
	[tilespmem:$0x1C000] =	vst v63  }
0x11d: {  	s13 =	simm.s32 $0x4800  }
0x11e: {  	[tilespmem:s13], [sflag:$0x1] =	stream.indirect_vreg.gather [hbm4b:s5+s3], $0x80, v4, vm0, $0xb8;
	[tilespmem:$0x1C000] =	vst v63  }
0x11f: {  	s13 =	simm.s32 $0x5000  }
0x120: {  	[tilespmem:s13], [sflag:$0x1] =	stream.indirect_vreg.gather [hbm4b:s1+s3], $0x80, v3, vm0, $0xb8;
	[tilespmem:$0x1C000] =	vst v63  }
0x121: {  	s13 =	simm.s32 $0x5800  }
0x122: {  	[tilespmem:s13], [sflag:$0x1] =	stream.indirect_vreg.gather [hbm4b:s5+s3], $0x80, v3, vm0, $0xb8;
	[tilespmem:$0x1C000] =	vst v63  }
0x123: {  	v3 =	vld.msk [tilespmem:s16+$0xFFFFFC80], $0xff;
	_ =	sdelay $0x4  }
0x124: {  	v61 =	vshll.u32 v3, $0x2  }
0x125: {  	v3 =	vand.u32 $0x7, v3;
	v4 =	vand.u32 $0xFFFFFFE0, v61  }
0x126: {  	v3 =	vor.u32 v3, v4  }
0x127: {  	v3 =	vperm.xlane v3, v0;
	_ =	sdelay $0x1  }
0x128: {  	v3 =	vadd.s32 v1, v3;
	_ =	sdelay $0x3  }
0x129: {  	s13 =	simm.s32 $0x6000  }
0x12a: {  	[tilespmem:s13], [sflag:$0x1] =	stream.indirect_vreg.gather [hbm4b:s1+s3], $0x80, v3, vm0, $0xb8;
	[tilespmem:$0x1C000] =	vst v63  }
0x12b: {  	s13 =	simm.s32 $0x6800  }
0x12c: {  	[tilespmem:s13], [sflag:$0x1] =	stream.indirect_vreg.gather [hbm4b:s5+s3], $0x80, v3, vm0, $0xb8;
	[tilespmem:$0x1C000] =	vst v63  }
0x12d: {  	_ =	swait.ge [sflag:s22], $0x3000  }
0x12e: {  	[sflag:s22] =	ssyncset.done $0x0  }
0x12f: {  	s13 =	sadd.s32 $0x600, s18;
	[sflag:s22] =	ssyncadd.s32 $0xFFFFD000  }
0x130: {  	[hbm4b:s13+s3] =	stream.linear.scatter [tilespmem:s19], [sflag:$0xA], $0x3000, $0x38;
	[tilespmem:$0x1C000] =	vst v63  }
0x131: {  	_ =	swait.ge [sflag:s30], $0x3000  }
0x132: {  	[sflag:s30] =	ssyncset.done $0x0  }
0x133: {  	[sflag:s30] =	ssyncadd.s32 $0xFFFFD000  }
0x134: {  	v3 =	vld [tilespmem:s16+$0xFFFFFCF0];
	_ =	sdelay $0x4  }
0x135: {  	v62 =	vshll.u32 v3, $0x2  }
0x136: {  	v3 =	vand.u32 $0x7, v3;
	v4 =	vand.u32 $0xFFFFFFE0, v62  }
0x137: {  	v3 =	vor.u32 v3, v4  }
0x138: {  	v4 =	vperm.xlane v3, v0;
	_ =	sdelay $0x1  }
0x139: {  	v4 =	vadd.s32 v1, v4;
	_ =	sdelay $0x1  }
0x13a: {  	v3 =	vperm.xlane v3, v2;
	_ =	sdelay $0x1  }
0x13b: {  	v3 =	vadd.s32 v1, v3  }
0x13c: {  	[tilespmem:s19], [sflag:$0x2] =	stream.indirect_vreg.gather [hbm4b:s1+s3], $0x80, v4, vm0, $0xb8;
	[tilespmem:$0x1C000] =	vst v63  }
0x13d: {  	s13 =	simm.s32 $0x7800  }
0x13e: {  	[tilespmem:s13], [sflag:$0x2] =	stream.indirect_vreg.gather [hbm4b:s5+s3], $0x80, v4, vm0, $0xb8;
	[tilespmem:$0x1C000] =	vst v63  }
0x13f: {  	s13 =	simm.s32 $0x8000  }
0x140: {  	[tilespmem:s13], [sflag:$0x2] =	stream.indirect_vreg.gather [hbm4b:s1+s3], $0x80, v3, vm0, $0xb8;
	[tilespmem:$0x1C000] =	vst v63  }
0x141: {  	s13 =	simm.s32 $0x8800  }
0x142: {  	[tilespmem:s13], [sflag:$0x2] =	stream.indirect_vreg.gather [hbm4b:s5+s3], $0x80, v3, vm0, $0xb8;
	[tilespmem:$0x1C000] =	vst v63  }
0x143: {  	v3 =	vld.msk [tilespmem:s16+$0xFFFFFD00], $0xff;
	_ =	sdelay $0x4  }
0x144: {  	v63 =	vshll.u32 v3, $0x2  }
0x145: {  	v3 =	vand.u32 $0x7, v3;
	v4 =	vand.u32 $0xFFFFFFE0, v63  }
0x146: {  	v3 =	vor.u32 v3, v4  }
0x147: {  	v3 =	vperm.xlane v3, v0;
	_ =	sdelay $0x1  }
0x148: {  	v3 =	vadd.s32 v1, v3;
	_ =	sdelay $0x3  }
0x149: {  	s13 =	simm.s32 $0x9000  }
0x14a: {  	[tilespmem:s13], [sflag:$0x2] =	stream.indirect_vreg.gather [hbm4b:s1+s3], $0x80, v3, vm0, $0xb8;
	[tilespmem:$0x1C000] =	vst v63  }
0x14b: {  	s13 =	simm.s32 $0x9800  }
0x14c: {  	[tilespmem:s13], [sflag:$0x2] =	stream.indirect_vreg.gather [hbm4b:s5+s3], $0x80, v3, vm0, $0xb8;
	[tilespmem:$0x1C000] =	vst v63  }
.LBB2_5:
.Ltmp4:
0x14d: {  	(pc) =	sbr.rel @!p0 .LBB2_6-.Ltmp4, $4  }
0x14e: {  	_ =	swait.ge [sflag:s23], $0x3000  }
0x14f: {  	[sflag:s23] =	ssyncset.done $0x0  }
0x150: {  	s13 =	sadd.s32 $0xC00, s18;
	[sflag:s23] =	ssyncadd.s32 $0xFFFFD000  }
0x151: {  	[hbm4b:s13+s3] =	stream.linear.scatter [tilespmem:s25], [sflag:$0xB], $0x3000, $0x38;
	[tilespmem:$0x1C000] =	vst v63  }
.Ltmp5:
0x152: {  	(pc) =	sbr.rel .LBB2_8-.Ltmp5, $4  }
0x153: {  	_ =	swait.ge [sflag:s24], $0x3000  }
0x154: {  	[sflag:s24] =	ssyncset.done $0x0  }
0x155: {  	s13 =	rddreg [dreg:$0x7];
	[sflag:s24] =	ssyncadd.s32 $0xFFFFD000  }
0x156: {  	[hbm4b:s13+s3] =	stream.linear.scatter [tilespmem:s0], [sflag:$0xC], $0x3000, $0x38;
	[tilespmem:$0x1C000] =	vst v63  }
.LBB2_6:
0x157: {  	_ =	swait.ge [sflag:s31], $0x3000  }
0x158: {  	[sflag:s31] =	ssyncset.done $0x0  }
0x159: {  	[sflag:s31] =	ssyncadd.s32 $0xFFFFD000  }
0x15a: {  	v3 =	vld [tilespmem:s16+$0xFFFFFD70];
	_ =	sdelay $0x4  }
0x15b: {  	v4 =	vshll.u32 v3, $0x2  }
0x15c: {  	v3 =	vand.u32 $0x7, v3;
	v4 =	vand.u32 $0xFFFFFFE0, v4  }
0x15d: {  	v3 =	vor.u32 v3, v4  }
0x15e: {  	v4 =	vperm.xlane v3, v0;
	_ =	sdelay $0x1  }
0x15f: {  	v4 =	vadd.s32 v1, v4;
	_ =	sdelay $0x1  }
0x160: {  	v3 =	vperm.xlane v3, v2;
	_ =	sdelay $0x1  }
0x161: {  	v3 =	vadd.s32 v1, v3  }
0x162: {  	[tilespmem:s25], [sflag:$0x3] =	stream.indirect_vreg.gather [hbm4b:s1+s3], $0x80, v4, vm0, $0xb8;
	[tilespmem:$0x1C000] =	vst v63  }
0x163: {  	s13 =	simm.s32 $0xA800  }
0x164: {  	[tilespmem:s13], [sflag:$0x3] =	stream.indirect_vreg.gather [hbm4b:s5+s3], $0x80, v4, vm0, $0xb8;
	[tilespmem:$0x1C000] =	vst v63  }
0x165: {  	s13 =	simm.s32 $0xB000  }
0x166: {  	[tilespmem:s13], [sflag:$0x3] =	stream.indirect_vreg.gather [hbm4b:s1+s3], $0x80, v3, vm0, $0xb8;
	[tilespmem:$0x1C000] =	vst v63  }
0x167: {  	s13 =	simm.s32 $0xB800  }
0x168: {  	[tilespmem:s13], [sflag:$0x3] =	stream.indirect_vreg.gather [hbm4b:s5+s3], $0x80, v3, vm0, $0xb8;
	[tilespmem:$0x1C000] =	vst v63  }
0x169: {  	v3 =	vld.msk [tilespmem:s16+$0xFFFFFD80], $0xff;
	_ =	sdelay $0x4  }
0x16a: {  	v61 =	vshll.u32 v3, $0x2  }
0x16b: {  	v3 =	vand.u32 $0x7, v3;
	v4 =	vand.u32 $0xFFFFFFE0, v61  }
0x16c: {  	v3 =	vor.u32 v3, v4  }
0x16d: {  	v3 =	vperm.xlane v3, v0;
	_ =	sdelay $0x1  }
0x16e: {  	v3 =	vadd.s32 v1, v3;
	_ =	sdelay $0x3  }
0x16f: {  	s13 =	simm.s32 $0xC000  }
0x170: {  	[tilespmem:s13], [sflag:$0x3] =	stream.indirect_vreg.gather [hbm4b:s1+s3], $0x80, v3, vm0, $0xb8;
	[tilespmem:$0x1C000] =	vst v63  }
0x171: {  	s13 =	simm.s32 $0xC800  }
0x172: {  	[tilespmem:s13], [sflag:$0x3] =	stream.indirect_vreg.gather [hbm4b:s5+s3], $0x80, v3, vm0, $0xb8;
	[tilespmem:$0x1C000] =	vst v63  }
0x173: {  	_ =	swait.ge [sflag:s24], $0x3000  }
0x174: {  	[sflag:s24] =	ssyncset.done $0x0  }
0x175: {  	s13 =	sadd.s32 $0x1200, s18;
	[sflag:s24] =	ssyncadd.s32 $0xFFFFD000  }
0x176: {  	[hbm4b:s13+s3] =	stream.linear.scatter [tilespmem:s0], [sflag:$0xC], $0x3000, $0x38;
	[tilespmem:$0x1C000] =	vst v63  }
0x177: {  	_ =	swait.ge [sflag:s2], $0x3000  }
0x178: {  	[sflag:s2] =	ssyncset.done $0x0  }
0x179: {  	[sflag:s2] =	ssyncadd.s32 $0xFFFFD000  }
0x17a: {  	v3 =	vld [tilespmem:s16+$0xFFFFFDF0];
	_ =	sdelay $0x4  }
0x17b: {  	v62 =	vshll.u32 v3, $0x2  }
0x17c: {  	v3 =	vand.u32 $0x7, v3;
	v4 =	vand.u32 $0xFFFFFFE0, v62  }
0x17d: {  	v3 =	vor.u32 v3, v4  }
0x17e: {  	v4 =	vperm.xlane v3, v0;
	_ =	sdelay $0x1  }
0x17f: {  	v4 =	vadd.s32 v1, v4;
	_ =	sdelay $0x1  }
0x180: {  	v3 =	vperm.xlane v3, v2;
	_ =	sdelay $0x1  }
0x181: {  	v3 =	vadd.s32 v1, v3  }
0x182: {  	[tilespmem:s0], [sflag:$0x4] =	stream.indirect_vreg.gather [hbm4b:s1+s3], $0x80, v4, vm0, $0xb8;
	[tilespmem:$0x1C000] =	vst v63  }
0x183: {  	s13 =	simm.s32 $0xD800  }
0x184: {  	[tilespmem:s13], [sflag:$0x4] =	stream.indirect_vreg.gather [hbm4b:s5+s3], $0x80, v4, vm0, $0xb8;
	[tilespmem:$0x1C000] =	vst v63  }
0x185: {  	s13 =	simm.s32 $0xE000  }
0x186: {  	[tilespmem:s13], [sflag:$0x4] =	stream.indirect_vreg.gather [hbm4b:s1+s3], $0x80, v3, vm0, $0xb8;
	[tilespmem:$0x1C000] =	vst v63  }
0x187: {  	s13 =	simm.s32 $0xE800  }
0x188: {  	[tilespmem:s13], [sflag:$0x4] =	stream.indirect_vreg.gather [hbm4b:s5+s3], $0x80, v3, vm0, $0xb8;
	[tilespmem:$0x1C000] =	vst v63  }
0x189: {  	v3 =	vld.msk [tilespmem:s16+$0xFFFFFE00], $0xff;
	_ =	sdelay $0x4  }
0x18a: {  	v63 =	vshll.u32 v3, $0x2  }
0x18b: {  	v3 =	vand.u32 $0x7, v3;
	v4 =	vand.u32 $0xFFFFFFE0, v63  }
0x18c: {  	v3 =	vor.u32 v3, v4  }
0x18d: {  	v3 =	vperm.xlane v3, v0;
	_ =	sdelay $0x1  }
0x18e: {  	v3 =	vadd.s32 v1, v3;
	_ =	sdelay $0x3  }
0x18f: {  	s13 =	simm.s32 $0xF000  }
0x190: {  	[tilespmem:s13], [sflag:$0x4] =	stream.indirect_vreg.gather [hbm4b:s1+s3], $0x80, v3, vm0, $0xb8;
	[tilespmem:$0x1C000] =	vst v63  }
0x191: {  	s13 =	simm.s32 $0xF800  }
0x192: {  	[tilespmem:s13], [sflag:$0x4] =	stream.indirect_vreg.gather [hbm4b:s5+s3], $0x80, v3, vm0, $0xb8;
	[tilespmem:$0x1C000] =	vst v63  }
.LBB2_8:
.Ltmp6:
0x193: {  	(pc) =	sbr.rel @!p0 .LBB2_9-.Ltmp6, $4  }
0x194: {  	_ =	swait.ge [sflag:s26], $0x3000  }
0x195: {  	[sflag:s26] =	ssyncset.done $0x0  }
0x196: {  	s13 =	sadd.s32 $0x1800, s18;
	[sflag:s26] =	ssyncadd.s32 $0xFFFFD000  }
0x197: {  	[hbm4b:s13+s3] =	stream.linear.scatter [tilespmem:s14], [sflag:$0xD], $0x3000, $0x38;
	[tilespmem:$0x1C000] =	vst v63  }
.Ltmp7:
0x198: {  	(pc) =	sbr.rel .LBB2_11-.Ltmp7, $4  }
0x199: {  	_ =	swait.ge [sflag:s28], $0x3000  }
0x19a: {  	[sflag:s28] =	ssyncset.done $0x0  }
0x19b: {  	s13 =	rddreg [dreg:$0x8];
	[sflag:s28] =	ssyncadd.s32 $0xFFFFD000  }
0x19c: {  	[hbm4b:s13+s3] =	stream.linear.scatter [tilespmem:s21], [sflag:$0xE], $0x3000, $0x38;
	[tilespmem:$0x1C000] =	vst v63  }
.LBB2_9:
0x19d: {  	_ =	swait.ge [sflag:s4], $0x3000  }
0x19e: {  	[sflag:s4] =	ssyncset.done $0x0  }
0x19f: {  	[sflag:s4] =	ssyncadd.s32 $0xFFFFD000  }
0x1a0: {  	v3 =	vld [tilespmem:s16+$0xFFFFFE70];
	_ =	sdelay $0x4  }
0x1a1: {  	v4 =	vshll.u32 v3, $0x2  }
0x1a2: {  	v3 =	vand.u32 $0x7, v3;
	v4 =	vand.u32 $0xFFFFFFE0, v4  }
0x1a3: {  	v3 =	vor.u32 v3, v4  }
0x1a4: {  	v4 =	vperm.xlane v3, v0;
	_ =	sdelay $0x1  }
0x1a5: {  	v4 =	vadd.s32 v1, v4;
	_ =	sdelay $0x1  }
0x1a6: {  	v3 =	vperm.xlane v3, v2;
	_ =	sdelay $0x1  }
0x1a7: {  	v3 =	vadd.s32 v1, v3  }
0x1a8: {  	[tilespmem:s14], [sflag:$0x5] =	stream.indirect_vreg.gather [hbm4b:s1+s3], $0x80, v4, vm0, $0xb8;
	[tilespmem:$0x1C000] =	vst v63  }
0x1a9: {  	s13 =	simm.s32 $0x10800  }
0x1aa: {  	[tilespmem:s13], [sflag:$0x5] =	stream.indirect_vreg.gather [hbm4b:s5+s3], $0x80, v4, vm0, $0xb8;
	[tilespmem:$0x1C000] =	vst v63  }
0x1ab: {  	s13 =	simm.s32 $0x11000  }
0x1ac: {  	[tilespmem:s13], [sflag:$0x5] =	stream.indirect_vreg.gather [hbm4b:s1+s3], $0x80, v3, vm0, $0xb8;
	[tilespmem:$0x1C000] =	vst v63  }
0x1ad: {  	s13 =	simm.s32 $0x11800  }
0x1ae: {  	[tilespmem:s13], [sflag:$0x5] =	stream.indirect_vreg.gather [hbm4b:s5+s3], $0x80, v3, vm0, $0xb8;
	[tilespmem:$0x1C000] =	vst v63  }
0x1af: {  	v3 =	vld.msk [tilespmem:s16+$0xFFFFFE80], $0xff;
	_ =	sdelay $0x4  }
0x1b0: {  	v61 =	vshll.u32 v3, $0x2  }
0x1b1: {  	v3 =	vand.u32 $0x7, v3;
	v4 =	vand.u32 $0xFFFFFFE0, v61  }
0x1b2: {  	v3 =	vor.u32 v3, v4  }
0x1b3: {  	v3 =	vperm.xlane v3, v0;
	_ =	sdelay $0x1  }
0x1b4: {  	v3 =	vadd.s32 v1, v3;
	_ =	sdelay $0x3  }
0x1b5: {  	s13 =	simm.s32 $0x12000  }
0x1b6: {  	[tilespmem:s13], [sflag:$0x5] =	stream.indirect_vreg.gather [hbm4b:s1+s3], $0x80, v3, vm0, $0xb8;
	[tilespmem:$0x1C000] =	vst v63  }
0x1b7: {  	s13 =	simm.s32 $0x12800  }
0x1b8: {  	[tilespmem:s13], [sflag:$0x5] =	stream.indirect_vreg.gather [hbm4b:s5+s3], $0x80, v3, vm0, $0xb8;
	[tilespmem:$0x1C000] =	vst v63  }
0x1b9: {  	_ =	swait.ge [sflag:s28], $0x3000  }
0x1ba: {  	[sflag:s28] =	ssyncset.done $0x0  }
0x1bb: {  	s13 =	sadd.s32 $0x1E00, s18;
	[sflag:s28] =	ssyncadd.s32 $0xFFFFD000  }
0x1bc: {  	[hbm4b:s13+s3] =	stream.linear.scatter [tilespmem:s21], [sflag:$0xE], $0x3000, $0x38;
	[tilespmem:$0x1C000] =	vst v63  }
0x1bd: {  	_ =	swait.ge [sflag:s6], $0x3000  }
0x1be: {  	[sflag:s6] =	ssyncset.done $0x0  }
0x1bf: {  	[sflag:s6] =	ssyncadd.s32 $0xFFFFD000  }
0x1c0: {  	v3 =	vld [tilespmem:s16+$0xFFFFFEF0];
	_ =	sdelay $0x4  }
0x1c1: {  	v62 =	vshll.u32 v3, $0x2  }
0x1c2: {  	v3 =	vand.u32 $0x7, v3;
	v4 =	vand.u32 $0xFFFFFFE0, v62  }
0x1c3: {  	v3 =	vor.u32 v3, v4  }
0x1c4: {  	v4 =	vperm.xlane v3, v0;
	_ =	sdelay $0x1  }
0x1c5: {  	v4 =	vadd.s32 v1, v4;
	_ =	sdelay $0x1  }
0x1c6: {  	v3 =	vperm.xlane v3, v2;
	_ =	sdelay $0x1  }
0x1c7: {  	v3 =	vadd.s32 v1, v3  }
0x1c8: {  	[tilespmem:s21], [sflag:$0x6] =	stream.indirect_vreg.gather [hbm4b:s1+s3], $0x80, v4, vm0, $0xb8;
	[tilespmem:$0x1C000] =	vst v63  }
0x1c9: {  	s13 =	simm.s32 $0x13800  }
0x1ca: {  	[tilespmem:s13], [sflag:$0x6] =	stream.indirect_vreg.gather [hbm4b:s5+s3], $0x80, v4, vm0, $0xb8;
	[tilespmem:$0x1C000] =	vst v63  }
0x1cb: {  	s13 =	simm.s32 $0x14000  }
0x1cc: {  	[tilespmem:s13], [sflag:$0x6] =	stream.indirect_vreg.gather [hbm4b:s1+s3], $0x80, v3, vm0, $0xb8;
	[tilespmem:$0x1C000] =	vst v63  }
0x1cd: {  	s13 =	simm.s32 $0x14800  }
0x1ce: {  	[tilespmem:s13], [sflag:$0x6] =	stream.indirect_vreg.gather [hbm4b:s5+s3], $0x80, v3, vm0, $0xb8;
	[tilespmem:$0x1C000] =	vst v63  }
0x1cf: {  	v3 =	vld.msk [tilespmem:s16+$0xFFFFFF00], $0xff;
	_ =	sdelay $0x4  }
0x1d0: {  	v63 =	vshll.u32 v3, $0x2  }
0x1d1: {  	v3 =	vand.u32 $0x7, v3;
	v4 =	vand.u32 $0xFFFFFFE0, v63  }
0x1d2: {  	v3 =	vor.u32 v3, v4  }
0x1d3: {  	v3 =	vperm.xlane v3, v0;
	_ =	sdelay $0x1  }
0x1d4: {  	v3 =	vadd.s32 v1, v3;
	_ =	sdelay $0x3  }
0x1d5: {  	s13 =	simm.s32 $0x15000  }
0x1d6: {  	[tilespmem:s13], [sflag:$0x6] =	stream.indirect_vreg.gather [hbm4b:s1+s3], $0x80, v3, vm0, $0xb8;
	[tilespmem:$0x1C000] =	vst v63  }
0x1d7: {  	s13 =	simm.s32 $0x15800  }
0x1d8: {  	[tilespmem:s13], [sflag:$0x6] =	stream.indirect_vreg.gather [hbm4b:s5+s3], $0x80, v3, vm0, $0xb8;
	[tilespmem:$0x1C000] =	vst v63  }
.LBB2_11:
.Ltmp8:
0x1d9: {  	(pc) =	sbr.rel @p0 .LBB2_13-.Ltmp8, $4  }
0x1da: {  	_ =	swait.ge [sflag:s7], $0x3000  }
0x1db: {  	[sflag:s7] =	ssyncset.done $0x0  }
0x1dc: {  	s13 =	sadd.s32 $0x2400, s18;
	[sflag:s7] =	ssyncadd.s32 $0xFFFFD000  }
0x1dd: {  	[hbm4b:s13+s3] =	stream.linear.scatter [tilespmem:s29], [sflag:$0xF], $0x3000, $0x38;
	[tilespmem:$0x1C000] =	vst v63  }
0x1de: {  	_ =	swait.ge [sflag:s12], $0x3000  }
0x1df: {  	[sflag:s12] =	ssyncset.done $0x0  }
0x1e0: {  	[sflag:s12] =	ssyncadd.s32 $0xFFFFD000  }
0x1e1: {  	v3 =	vld [tilespmem:s16+$0xFFFFFF70];
	_ =	sdelay $0x4  }
0x1e2: {  	v4 =	vshll.u32 v3, $0x2  }
0x1e3: {  	v3 =	vand.u32 $0x7, v3;
	v4 =	vand.u32 $0xFFFFFFE0, v4  }
0x1e4: {  	v3 =	vor.u32 v3, v4  }
0x1e5: {  	v4 =	vperm.xlane v3, v0;
	_ =	sdelay $0x1  }
0x1e6: {  	v4 =	vadd.s32 v1, v4;
	_ =	sdelay $0x1  }
0x1e7: {  	v3 =	vperm.xlane v3, v2;
	_ =	sdelay $0x1  }
0x1e8: {  	v3 =	vadd.s32 v1, v3  }
0x1e9: {  	[tilespmem:s29], [sflag:$0x7] =	stream.indirect_vreg.gather [hbm4b:s1+s3], $0x80, v4, vm0, $0xb8;
	[tilespmem:$0x1C000] =	vst v63  }
0x1ea: {  	s13 =	simm.s32 $0x16800  }
0x1eb: {  	[tilespmem:s13], [sflag:$0x7] =	stream.indirect_vreg.gather [hbm4b:s5+s3], $0x80, v4, vm0, $0xb8;
	[tilespmem:$0x1C000] =	vst v63  }
0x1ec: {  	s13 =	simm.s32 $0x17000  }
0x1ed: {  	[tilespmem:s13], [sflag:$0x7] =	stream.indirect_vreg.gather [hbm4b:s1+s3], $0x80, v3, vm0, $0xb8;
	[tilespmem:$0x1C000] =	vst v63  }
0x1ee: {  	s13 =	simm.s32 $0x17800  }
0x1ef: {  	[tilespmem:s13], [sflag:$0x7] =	stream.indirect_vreg.gather [hbm4b:s5+s3], $0x80, v3, vm0, $0xb8;
	[tilespmem:$0x1C000] =	vst v63  }
0x1f0: {  	v3 =	vld.msk [tilespmem:s16+$0xFFFFFF80], $0xff;
	_ =	sdelay $0x4  }
0x1f1: {  	v61 =	vshll.u32 v3, $0x2  }
0x1f2: {  	v3 =	vand.u32 $0x7, v3;
	v4 =	vand.u32 $0xFFFFFFE0, v61  }
0x1f3: {  	v3 =	vor.u32 v3, v4  }
0x1f4: {  	v3 =	vperm.xlane v3, v0;
	_ =	sdelay $0x1  }
0x1f5: {  	v3 =	vadd.s32 v1, v3;
	_ =	sdelay $0x3  }
0x1f6: {  	s13 =	simm.s32 $0x18000  }
0x1f7: {  	[tilespmem:s13], [sflag:$0x7] =	stream.indirect_vreg.gather [hbm4b:s1+s3], $0x80, v3, vm0, $0xb8;
	[tilespmem:$0x1C000] =	vst v63  }
0x1f8: {  	s13 =	simm.s32 $0x18800  }
0x1f9: {  	[tilespmem:s13], [sflag:$0x7] =	stream.indirect_vreg.gather [hbm4b:s5+s3], $0x80, v3, vm0, $0xb8;
	[tilespmem:$0x1C000] =	vst v63  }
0x1fa: {  	_ =	swait.ge [sflag:s8], $0x3000  }
0x1fb: {  	[sflag:s8] =	ssyncset.done $0x0  }
0x1fc: {  	s18 =	sadd.s32 $0x2A00, s18;
	[sflag:s8] =	ssyncadd.s32 $0xFFFFD000  }
0x1fd: {  	[hbm4b:s18+s3] =	stream.linear.scatter [tilespmem:s10], [sflag:$0x10], $0x3000, $0x38;
	[tilespmem:$0x1C000] =	vst v63  }
0x1fe: {  	_ =	swait.ge [sflag:s15], $0x3000  }
0x1ff: {  	[sflag:s15] =	ssyncset.done $0x0  }
0x200: {  	[sflag:s15] =	ssyncadd.s32 $0xFFFFD000  }
0x201: {  	v3 =	vld [tilespmem:s16+$0xFFFFFFF0];
	_ =	sdelay $0x4  }
0x202: {  	v62 =	vshll.u32 v3, $0x2  }
0x203: {  	v3 =	vand.u32 $0x7, v3;
	v4 =	vand.u32 $0xFFFFFFE0, v62  }
0x204: {  	v3 =	vor.u32 v3, v4  }
0x205: {  	v4 =	vperm.xlane v3, v0;
	_ =	sdelay $0x1  }
0x206: {  	v4 =	vadd.s32 v1, v4;
	_ =	sdelay $0x1  }
0x207: {  	v3 =	vperm.xlane v3, v2;
	_ =	sdelay $0x1  }
0x208: {  	v3 =	vadd.s32 v1, v3  }
0x209: {  	[tilespmem:s10], [sflag:$0x8] =	stream.indirect_vreg.gather [hbm4b:s1+s3], $0x80, v4, vm0, $0xb8;
	[tilespmem:$0x1C000] =	vst v63  }
0x20a: {  	s18 =	simm.s32 $0x19800  }
0x20b: {  	[tilespmem:s18], [sflag:$0x8] =	stream.indirect_vreg.gather [hbm4b:s5+s3], $0x80, v4, vm0, $0xb8;
	[tilespmem:$0x1C000] =	vst v63  }
0x20c: {  	s18 =	simm.s32 $0x1A000  }
0x20d: {  	[tilespmem:s18], [sflag:$0x8] =	stream.indirect_vreg.gather [hbm4b:s1+s3], $0x80, v3, vm0, $0xb8;
	[tilespmem:$0x1C000] =	vst v63  }
0x20e: {  	s18 =	simm.s32 $0x1A800  }
0x20f: {  	[tilespmem:s18], [sflag:$0x8] =	stream.indirect_vreg.gather [hbm4b:s5+s3], $0x80, v3, vm0, $0xb8;
	[tilespmem:$0x1C000] =	vst v63  }
0x210: {  	v3 =	vld.msk [tilespmem:s16+$0x0], $0xff;
	_ =	sdelay $0x4  }
0x211: {  	v63 =	vshll.u32 v3, $0x2  }
0x212: {  	v3 =	vand.u32 $0x7, v3;
	v4 =	vand.u32 $0xFFFFFFE0, v63  }
0x213: {  	v3 =	vor.u32 v3, v4  }
0x214: {  	v3 =	vperm.xlane v3, v0;
	_ =	sdelay $0x1  }
0x215: {  	v3 =	vadd.s32 v1, v3;
	_ =	sdelay $0x2  }
.Ltmp9:
0x216: {  	_ = 	snop;
	(pc) =	sbr.rel .LBB2_2-.Ltmp9, $4  }
0x217: {  	s17 =	sadd.s32 $0x3000, s17;
	s18 =	simm.s32 $0x1B000  }
0x218: {  	[tilespmem:s18], [sflag:$0x8] =	stream.indirect_vreg.gather [hbm4b:s1+s3], $0x80, v3, vm0, $0xb8;
	[tilespmem:$0x1C000] =	vst v63  }
0x219: {  	s13 =	simm.s32 $0x4000;
	s16 =	sadd.s32 $0x400, s16;
	s18 =	simm.s32 $0x1B800  }
0x21a: {  	[tilespmem:s18], [sflag:$0x8] =	stream.indirect_vreg.gather [hbm4b:s5+s3], $0x80, v3, vm0, $0xb8;
	[tilespmem:$0x1C000] =	vst v63  }
.LBB2_14:
0x21b: {  	_ =	sfence.sel $0x180000  }
0x21c: {  	[bflag:$0x0] =	sbarrier.arrive $0xFFFF  }
0x21d: {  	_ =	strace $0x90000047  }
0x21e: {  	s0 =	stileid.u32;
	[bflag:$0x2] =	sbarrier.arrive $0xFFFF  }
0x21f: {  	p0 =	sne.s32 s0, $0x0;
	s0 =	rddreg [dreg:$0x3]  }
0x220: {  	s0 =	sadd.s32 @!p0 $0x100000, s0  }
0x221: {  	[sflag:s0] =	ssyncadd.tile.s32 @!p0 $0x1;
	_ =	shalt  }
.Lfunc_end2:
_tile_overlayer_lowered:
.L_overlay_start_2:
0x222: {  	(tag) =	ssettag $0x2  }
0x223: {  	s0 =	rddreg [dreg:$0x0];
	s2 =	stileid.u32  }
0x224: {  	s1 =	rddreg [dreg:$0x1];
	p0 =	sne.s32 s2, $0x0  }
0x225: {  	s3 =	rddreg [dreg:$0x2];
	[bflag:$0x3] =	sbarrier.arrive $0xFFFF;
	s2 =	simm.s32 @!p0 $0x1C11  }
0x226: {  	[timem:s3], [sflag:s2] =	dma.local @!p0 [hbm:s0], s1  }
0x227: {  	s0 =	simm.s32 @!p0 $0x11  }
0x228: {  	_ =	swait.ge @!p0 [sflag:s0], s1  }
0x229: {  	s1 =	ssub.s32 @!p0 $0x0, s1;
	[sflag:s0] =	ssyncset.done @!p0 $0x0  }
0x22a: {  	[sflag:s0] =	ssyncadd.s32 @!p0 s1  }
0x22b: {  	[bflag:$0x3] =	sbarrier.arrive $0xFFFF  }
0x22c: {  	_ =	shalt  }

// kernel: sparse-core-data-format-call.cloned.1.call-start
scs
called_computation_lowered:
.L_overlay_start_0:
0x0: {  	s2 =	sld [smem:$0x3FD9]  }
0x1: {  	s3 =	sld [smem:$0x3FFE];
	_ =	sdelay $0x1  }
0x2: {  	s1 =	srdreg.scid  }
0x3: {  	s0 =	sand.u32 $0x1, s1  }
0x4: {  	s18 =	sshll.u32 s0, $0xA;
	s2 =	sadd.s32 s3, s2  }
0x5: {  	s2 =	sadd.s32 s2, s18  }
0x6: {  	[smem:$0x3FC6] =	sst s2  }
0x7: {  	_ = 	snop  }
0x8: {  	s2 =	sld [smem:$0x3FD0];
	(tm) =	ssettm $0x1  }
0x9: {  	s19 =	sld [smem:$0x3FFB];
	_ =	sdelay $0x3  }
0xa: {  	_ =	strace s19  }
0xb: {  	s3 =	sld [smem:$0x3FFC];
	_ =	sdelay $0x3  }
0xc: {  	_ =	strace s3  }
0xd: {  	s3 =	sld [smem:$0x3FFD];
	_ =	sdelay $0x3  }
0xe: {  	_ =	strace s3  }
0xf: {  	_ =	strace $0x8FFFFFFF  }
0x10: {  	s20 =	sld [smem:$0x3FDB];
	_ =	sdelay $0x1  }
0x11: {  	s4 =	simm.s32 $_scs_section_size  }
0x12: {  	s5 =	simm.s32 $_size__tile_overlayer_lowered;
	s6 =	simm.s32 $_tile_overlayer_lowered  }
0x13: {  	s23 =	simm.s32 $0x1BFF;
	s22 =	sshll.u32 s6, $0x1;
	s3 =	sadd.s32 s4, s20  }
0x14: {  	s7 =	simm.s32 $0x0;
	s21 =	sshll.u32 s5, $0x1;
	s5 =	sadd.s32 s22, s3  }
0x15: {  	[timem:s7], [sflag:s23] =	dma.local [hbm:s5], s21  }
0x16: {  	_ =	swait.ge [sflag:s23], s21  }
0x17: {  	s4 =	ssub.s32 $0x0, s21;
	[sflag:s23] =	ssyncset.done $0x0  }
0x18: {  	[sflag:s23] =	ssyncadd.s32 s4;
	_ =	sdelay $0x1  }
0x19: {  	s24 =	simm.s32 $0x1B8B  }
0x1a: {  	_ =	swait.ge [sflag:s24], $0x1  }
0x1b: {  	[sflag:s24] =	ssyncset.done $0x0  }
0x1c: {  	s26 =	simm.s32 $0x1B8E;
	s25 =	sld [smem:$0x3FFE];
	[sflag:s24] =	ssyncadd.s32 $0xFFFFFFFF  }
0x1d: {  	s27 =	simm.s32 $execute0_lowered;
	[smem:$0x3FD2] =	sst s26  }
0x1e: {  	s5 =	sshll.u32 s27, $0x1;
	_ =	strace $0x80000049;
	[dreg:$0x1] =	wrdreg $0xFFFFFFFF  }
0x1f: {  	s28 =	simm.s32 $_size_execute0_lowered;
	s3 =	sadd.s32 s3, s5;
	[dreg:$0x0] =	wrdreg $0x0  }
0x20: {  	s5 =	sshll.u32 s28, $0x1;
	[dreg:$0x2] =	wrdreg s3  }
0x21: {  	[dreg:$0x3] =	wrdreg s5  }
0x22: {  	[dreg:$0x4] =	wrdreg $0xC0  }
0x23: {  	_ =	task [dreg:s7], $0x5FFFF  }
0x24: {  	[dreg:$0x1] =	wrdreg $0xFFFFFFFF  }
0x25: {  	[dreg:$0x0] =	wrdreg $0x60  }
0x26: {  	[dreg:$0x2] =	wrdreg s25  }
0x27: {  	[dreg:$0x3] =	wrdreg s2  }
0x28: {  	[dreg:$0x4] =	wrdreg $0x9  }
0x29: {  	_ =	task.clear_ibuf [dreg:s7], $0x5FFFF;
	_ =	strace $0x90000049  }
0x2a: {  	s29 =	simm.s32 $0x9;
	_ =	strace $0x8000004B  }
0x2b: {  	_ =	swait.ge [sflag:s29], $0x1  }
0x2c: {  	[sflag:s29] =	ssyncadd.s32 $0xFFFFFFFF  }
0x2d: {  	_ =	strace $0x9000004B  }
0x2e: {  	_ =	sfence  }
0x2f: {  	s30 =	sld [smem:$0x0];
	_ =	sdelay $0x2  }
0x30: {  	s31 =	sshll.u32 s1, $0xD;
	s1 =	sshrl.u32 s1, $0x2  }
0x31: {  	s3 =	sand.u32 $0x4000, s31;
	s1 =	sadd.s32 s1, s30  }
0x32: {  	s0 =	sor.u32 s3, s0;
	s1 =	sshll.u32 s1, $0x11  }
0x33: {  	s0 =	sor.u32 s1, s0  }
0x34: {  	s0 =	sadd.s32 $0x8F2B, s0  }
0x35: {  	[sflag:s0] =	ssyncadd.remote.s32 $0x1  }
0x36: {  	_ =	sfence.sel $0xFFFF  }
0x37: {  	[dreg:$0x0] =	wrdreg $0xFFFFFFFF;
	(pc) =	sbr.abs _section_cstart, $3  }
0x38: {  	[dreg:$0x1] =	wrdreg $0xFFFFFFFF  }
0x39: {  	_ =	task.clear_ibuf [dreg:s7], $0x2FFFF;
	_ =	strace $0x9FFFFFFF  }
0x3a: {  	(tm) =	ssettm $0x7FFFFFFF  }
0x3b: {  	_ =	shalt  }
tec
execute0_lowered:
.L_overlay_start_1:
0x0: {  	(tag) =	ssettag $0x1  }
0x1: {  	s0 =	srdreg.scid  }
0x2: {  	s1 =	sshll.u32 s0, $0x4  }
0x3: {  	s6 =	rddreg [dreg:$0x0];
	s0 =	stileid.u32;
	s1 =	sand.u32 $0x10, s1  }
0x4: {  	s3 =	rddreg [dreg:$0x1];
	s1 =	sor.u32 s0, s1  }
0x5: {  	s5 =	simm.s32 $0x1;
	s31 =	simm.s32 $0x2;
	s2 =	sshll.u32 s1, $0x7  }
0x6: {  	s14 =	simm.s32 $0x0;
	s8 =	simm.s32 $0x1000;
	s4 =	ssub.s32 $0x1000, s2  }
0x7: {  	s9 =	simm.s32 $0x0;
	s15 =	simm.s32 $0x0;
	s30 =	sand.u32 $0xF80, s4  }
0x8: {  	s16 =	simm.s32 $0x0;
	s10 =	simm.s32 $0x0;
	p0 =	sne.s32 s30, $0x0  }
.Ltmp0:
0x9: {  	s7 =	sshrl.u32 s4, $0xC;
	s5 =	simm.s32 @!p0 $0x0;
	(pc) =	sbr.rel .LBB1_1-.Ltmp0, $4  }
0xa: {  	s11 =	simm.s32 $0x0;
	s1 =	rddreg [dreg:$0x2];
	s5 =	sadd.s32 s5, s7  }
0xb: {  	_ =	strace $0x8000004A;
	s4 =	simm.s32 $0x1;
	s5 =	smul.u32 $0x50, s5  }
0xc: {  	s13 =	simm.s32 $0x0;
	s6 =	sadd.s32 $0x800, s6;
	[sflag:s4] =	ssyncpa.u1 $0x0  }
0xd: {  	s12 =	smov.u32 s2;
	[sflag:s31] =	ssyncpa.u1 $0x0;
	s7 =	sor.u32 $0x1, s5  }
.LBB1_4:
0xe: {  	_ =	sdelay $0x3  }
0xf: {  	[tilespmem:v0+s19+$0xFFFFFFD0 ss:$0x1] =	vst.idx.msk $0xffff, v6  }
0x10: {  	v56 =	vld.idx.msk [tilespmem:v1+s18+$0x0 ss:$0x1], $0xffff;
	[tilespmem:v0+s19+$0xFFFFFFE0 ss:$0x1] =	vst.idx.msk $0xffff, v4  }
0x11: {  	v57 =	vld.idx.msk [tilespmem:v1+s18+$0xFFFFFF90 ss:$0x1], $0xffff;
	[tilespmem:v0+s19+$0xFFFFFFF0 ss:$0x1] =	vst.idx.msk $0xffff, v2  }
0x12: {  	v58 =	vld.idx.msk [tilespmem:v1+s18+$0xFFFFFFA0 ss:$0x1], $0xffff;
	[tilespmem:v0+s19+$0x0 ss:$0x1] =	vst.idx.msk $0xffff, v3  }
0x13: {  	v59 =	vld.idx.msk [tilespmem:v1+s18+$0xFFFFFFB0 ss:$0x1], $0xffff;
	[tilespmem:v0+s19+$0x10 ss:$0x1] =	vst.idx.msk $0xffff, v5  }
0x14: {  	v60 =	vld.idx.msk [tilespmem:v1+s18+$0xFFFFFFC0 ss:$0x1], $0xffff;
	[tilespmem:v0+s19+$0x20 ss:$0x1] =	vst.idx.msk $0xffff, v7  }
0x15: {  	v61 =	vld.idx.msk [tilespmem:v1+s18+$0xFFFFFFD0 ss:$0x1], $0xffff;
	s27 =	sshll.u32 s16, $0x9;
	[tilespmem:v0+s18+$0x30 ss:$0x1] =	vst.idx.msk $0xffff, v56  }
0x16: {  	s20 =	sshll.u32 s14, $0x3;
	v62 =	vld.idx.msk [tilespmem:v1+s18+$0xFFFFFFE0 ss:$0x1], $0xffff;
	s28 =	sshll.u32 s16, $0x7;
	s30 =	sand.u32 $0x78, s14;
	[tilespmem:v0+s18+$0xFFFFFFC0 ss:$0x1] =	vst.idx.msk $0xffff, v57  }
0x17: {  	v63 =	vld.idx.msk [tilespmem:v1+s18+$0xFFFFFFF0 ss:$0x1], $0xffff;
	s15 =	sshll.u32 s15, $0x12;
	s19 =	sand.u32 $0x1FF000, s27;
	s20 =	sand.u32 $0x1FFC00, s20;
	[tilespmem:v0+s18+$0xFFFFFFD0 ss:$0x1] =	vst.idx.msk $0xffff, v58  }
0x18: {  	s29 =	sand.u32 $0x200, s28;
	s16 =	sand.u32 $0x180, s28;
	s19 =	sadd.s32 s19, s20;
	[tilespmem:v0+s18+$0xFFFFFFE0 ss:$0x1] =	vst.idx.msk $0xffff, v59  }
0x19: {  	s31 =	sand.u32 $0x7, s14;
	s16 =	sor.u32 s16, s30;
	s19 =	sor.u32 s29, s19;
	[tilespmem:v0+s18+$0xFFFFFFF0 ss:$0x1] =	vst.idx.msk $0xffff, v60  }
0x1a: {  	s15 =	sadd.s32 s3, s15;
	s16 =	sshrl.u32 s16, $0x3;
	s19 =	sshrl.u32 s19, $0x3;
	[tilespmem:v0+s18+$0x0 ss:$0x1] =	vst.idx.msk $0xffff, v61  }
0x1b: {  	s14 =	sshll.u32 s31, $0x12;
	s15 =	sadd.s32 s16, s15;
	[tilespmem:v0+s18+$0x10 ss:$0x1] =	vst.idx.msk $0xffff, v62;
	s19 =	sand.u32 $0x3FFC0, s19  }
0x1c: {  	s14 =	sor.u32 $0x400, s14;
	[tilespmem:v0+s18+$0x20 ss:$0x1] =	vst.idx.msk $0xffff, v63;
	s15 =	sadd.s32 s19, s15  }
0x1d: {  	[hbm4b:s15+s14] =	stream.strided.scatter [tilespmem:s17], [sflag:$0x2], $0x4000, s8, s14, $0x38;
	[tilespmem:$0x10000] =	vst v63  }
.LBB1_5:
0x1e: {  	s17 =	sadd.s32 $0x80, s10  }
0x1f: {  	s14 =	simm.s32 $0x1;
	p1 =	sgt.s32 s17, $0x1FF  }
0x20: {  	s14 =	simm.s32 @!p1 $0x0  }
0x21: {  	s18 =	sadd.s32 s14, s11  }
0x22: {  	s20 =	smov.u32 s12;
	s14 =	sadd.s32 $0x1000, s12;
	p2 =	sgt.s32 s18, $0x13  }
0x23: {  	s20 =	smov.u32 @p2 s14  }
0x24: {  	p0 =	slt.u32 s13, $0x2;
	s17 =	simm.s32 @p1 $0x0;
	p1 =	sgt.s32 s20, $0xFFF  }
0x25: {  	s19 =	simm.s32 @!p0 $0x2;
	s20 =	smov.u32 @p1 s2;
	p1 =	sne.s32 s13, s7  }
.Ltmp1:
0x26: {  	_ =	swait.ge @!p0 [sflag:s19], $0x4000;
	(pc) =	sbr.rel @!p1 .LBB1_6-.Ltmp1, $4  }
0x27: {  	s15 =	smov.u32 s11;
	[sflag:s19] =	ssyncset.done @!p0 $0x0  }
0x28: {  	s16 =	smov.u32 s12;
	s9 =	sadd.s32 $0x4000, s9;
	[sflag:s19] =	ssyncadd.s32 @!p0 $0xFFFFC000  }
0x29: {  	s18 =	simm.s32 @p2 $0x0;
	s14 =	smov.u32 s10;
	s10 =	smov.u32 s17  }
0x2a: {  	s11 =	smov.u32 s18;
	s13 =	sadd.s32 $0x1, s13;
	s12 =	smov.u32 s20  }
.LBB1_1:
0x2b: {  	p0 =	sge.u32 s13, s5  }
0x2c: {  	s17 =	sshll.u32 @!p0 s11, $0x9;
	s18 =	sshll.u32 @!p0 s10, $0x3  }
0x2d: {  	s19 =	sshll.u32 @!p0 s11, $0x7;
	s17 =	sand.u32 @!p0 $0xFFFFF000, s17;
	s18 =	sand.u32 @!p0 $0xFFFFFC00, s18  }
0x2e: {  	s17 =	sadd.s32 @!p0 s17, s18;
	s18 =	sand.u32 @!p0 $0x200, s19  }
0x2f: {  	s17 =	sor.u32 @!p0 s18, s17  }
0x30: {  	s17 =	sshrl.u32 @!p0 s17, $0x9  }
0x31: {  	s31 =	sadd.s32 $0xFFFFFFFF, s13;
	s18 =	smulhi.u32 @!p0 $0xAAAAAAB, s17  }
0x32: {  	s20 =	sxor.u32 @!p0 $0xFFFFFFFF, s13;
	s21 =	sand.u32 @!p0 $0x78, s10;
	s22 =	smul.u32 @!p0 $0x600, s12  }
0x33: {  	s20 =	sshll.u32 @!p0 s20, $0xE;
	s19 =	sand.u32 @!p0 $0x180, s19;
	s18 =	smul.u32 @!p0 $0x18, s18  }
0x34: {  	s20 =	sand.u32 @!p0 $0x4000, s20;
	s19 =	sor.u32 @!p0 s21, s19;
	s21 =	sand.u32 @!p0 $0x7, s10  }
0x35: {  	s17 =	ssub.s32 @!p0 s17, s18;
	s18 =	sshrl.u32 @!p0 s19, $0x3;
	s19 =	sadd.s32 @!p0 s6, s22  }
0x36: {  	s17 =	sshll.u32 @!p0 s17, $0x6;
	s18 =	sadd.s32 @!p0 s18, s19;
	s19 =	sshll.u32 @!p0 s21, $0x12  }
0x37: {  	s17 =	sadd.s32 @!p0 s17, s18;
	s18 =	sor.u32 @!p0 $0x80, s19;
	s19 =	simm.s32 @!p0 $0x3000  }
0x38: {  	[tilespmem:s20], [sflag:$0x1] =	stream.strided.gather @!p0 [hbm4b:s17+s18], $0x4000, s19, s18, $0x38;
	[tilespmem:$0x10000] =	vst v63  }
0x39: {  	p0 =	sge.u32 s31, s5  }
.Ltmp2:
0x3a: {  	_ = 	snop;
	(pc) =	sbr.rel @p0 .LBB1_5-.Ltmp2, $1  }
0x3b: {  	_ =	sdelay $0x3  }
0x3c: {  	s17 =	sand.u32 $0x4000, s9  }
0x3d: {  	s18 =	sor.u32 $0x70, s17  }
0x3e: {  	v1 =	vmov s18;
	_ =	sdelay $0x1  }
0x3f: {  	_ =	swait.ge [sflag:s4], $0x4000  }
0x40: {  	[sflag:s4] =	ssyncset.done $0x0  }
0x41: {  	s19 =	simm.s32 $0x0;
	[sflag:s4] =	ssyncadd.s32 $0xFFFFC000  }
0x42: {  	s17 =	sor.u32 $0x8040, s17;
	v7 =	vld.idx.msk [tilespmem:v1+s19+$0x0 ss:$0x1], $0xffff  }
0x43: {  	v0 =	vmov s17;
	v8 =	vld.idx.msk [tilespmem:v1+s19+$0xFFFFFF90 ss:$0x1], $0xffff  }
0x44: {  	v6 =	vld.idx.msk [tilespmem:v1+s19+$0xFFFFFFA0 ss:$0x1], $0xffff  }
0x45: {  	v4 =	vld.idx.msk [tilespmem:v1+s19+$0xFFFFFFB0 ss:$0x1], $0xffff  }
0x46: {  	v2 =	vld.idx.msk [tilespmem:v1+s19+$0xFFFFFFC0 ss:$0x1], $0xffff  }
0x47: {  	s31 =	sshll.u32 s13, $0xE;
	v3 =	vld.idx.msk [tilespmem:v1+s19+$0xFFFFFFD0 ss:$0x1], $0xffff  }
0x48: {  	s17 =	sand.u32 $0x4000, s31;
	v5 =	vld.idx.msk [tilespmem:v1+s19+$0xFFFFFFE0 ss:$0x1], $0xffff;
	[tilespmem:v0+s19+$0x30 ss:$0x1] =	vst.idx.msk $0xffff, v7  }
0x49: {  	s20 =	simm.s32 $0x400;
	s18 =	simm.s32 $0x80;
	s17 =	sor.u32 $0x8000, s17;
	[tilespmem:v0+s19+$0xFFFFFFC0 ss:$0x1] =	vst.idx.msk $0xffff, v8;
	v7 =	vld.idx.msk [tilespmem:v1+s19+$0xFFFFFFF0 ss:$0x1], $0xffff  }
.LBB1_3:
0x4a: {  	p0 =	sne.s32 s20, $0xFE00;
	v8 =	vld.idx.msk [tilespmem:v1+s18+$0x0 ss:$0x1], $0xffff;
	[tilespmem:v0+s19+$0xFFFFFFD0 ss:$0x1] =	vst.idx.msk $0xffff, v6  }
0x4b: {  	v9 =	vld.idx.msk [tilespmem:v1+s18+$0xFFFFFF90 ss:$0x1], $0xffff;
	[tilespmem:v0+s19+$0xFFFFFFE0 ss:$0x1] =	vst.idx.msk $0xffff, v4  }
0x4c: {  	v6 =	vld.idx.msk [tilespmem:v1+s18+$0xFFFFFFA0 ss:$0x1], $0xffff;
	[tilespmem:v0+s19+$0xFFFFFFF0 ss:$0x1] =	vst.idx.msk $0xffff, v2  }
.Ltmp3:
0x4d: {  	v4 =	vld.idx.msk [tilespmem:v1+s18+$0xFFFFFFB0 ss:$0x1], $0xffff;
	[tilespmem:v0+s19+$0x0 ss:$0x1] =	vst.idx.msk $0xffff, v3;
	(pc) =	sbr.rel @p0 .LBB1_3-.Ltmp3, $4  }
0x4e: {  	v2 =	vld.idx.msk [tilespmem:v1+s18+$0xFFFFFFC0 ss:$0x1], $0xffff;
	[tilespmem:v0+s19+$0x10 ss:$0x1] =	vst.idx.msk $0xffff, v5  }
0x4f: {  	v3 =	vld.idx.msk [tilespmem:v1+s18+$0xFFFFFFD0 ss:$0x1], $0xffff;
	[tilespmem:v0+s19+$0x20 ss:$0x1] =	vst.idx.msk $0xffff, v7;
	s19 =	smov.u32 s18  }
0x50: {  	v5 =	vld.idx.msk [tilespmem:v1+s19+$0xFFFFFFE0 ss:$0x1], $0xffff;
	[tilespmem:v0+s19+$0x30 ss:$0x1] =	vst.idx.msk $0xffff, v8  }
0x51: {  	s18 =	sshra.s32 s20, $0x2;
	s20 =	sadd.s32 $0x200, s20;
	[tilespmem:v0+s19+$0xFFFFFFC0 ss:$0x1] =	vst.idx.msk $0xffff, v9;
	v7 =	vld.idx.msk [tilespmem:v1+s19+$0xFFFFFFF0 ss:$0x1], $0xffff  }
.Ltmp4:
0x52: {  	_ = 	snop;
	(pc) =	sbr.rel .LBB1_4-.Ltmp4, $1  }
0x53: {  	_ =	sdelay $0x3  }
.LBB1_6:
0x54: {  	_ =	sfence.sel $0x180000  }
0x55: {  	s2 =	simm.s32 $0x1;
	[bflag:$0x0] =	sbarrier.arrive $0xFFFF  }
0x56: {  	s31 =	simm.s32 $0x2;
	[sflag:s2] =	ssyncpa.u1 $0x1  }
0x57: {  	[sflag:s31] =	ssyncpa.u1 $0x1  }
0x58: {  	p0 =	sne.s32 s0, $0x0;
	_ =	strace $0x9000004A  }
0x59: {  	s0 =	sadd.s32 @!p0 $0x100000, s1;
	[bflag:$0x2] =	sbarrier.arrive $0xFFFF  }
0x5a: {  	[sflag:s0] =	ssyncadd.tile.s32 @!p0 $0x1;
	_ =	shalt  }
.Lfunc_end1:
_tile_overlayer_lowered:
.L_overlay_start_2:
0x5b: {  	(tag) =	ssettag $0x2  }
0x5c: {  	s0 =	rddreg [dreg:$0x0];
	s2 =	stileid.u32  }
0x5d: {  	s1 =	rddreg [dreg:$0x1];
	p0 =	sne.s32 s2, $0x0  }
0x5e: {  	s3 =	rddreg [dreg:$0x2];
	[bflag:$0x3] =	sbarrier.arrive $0xFFFF;
	s2 =	simm.s32 @!p0 $0x1C01  }
0x5f: {  	[timem:s3], [sflag:s2] =	dma.local @!p0 [hbm:s0], s1  }
0x60: {  	s0 =	simm.s32 @!p0 $0x1  }
0x61: {  	_ =	swait.ge @!p0 [sflag:s0], s1  }
0x62: {  	s1 =	ssub.s32 @!p0 $0x0, s1;
	[sflag:s0] =	ssyncset.done @!p0 $0x0  }
0x63: {  	[sflag:s0] =	ssyncadd.s32 @!p0 s1  }
0x64: {  	[bflag:$0x3] =	sbarrier.arrive $0xFFFF  }
0x65: {  	_ =	shalt  }

</sc_bundles>
